<compile_context>
chip_gen: v7x
topology: tpu7x:2x2x1
jax: 0.10.2.dev20260603
libtpu: 0.0.44.dev20260713+nightly
codegen_flags: <defaults>
</compile_context>

<pallas_src>
import functools

import jax
import jax.numpy as jnp
from jax import lax
from jax.experimental import pallas as pl
from jax.experimental.pallas import tpu as pltpu
from jax.experimental.pallas import tpu_sc as plsc

NC = 2
NS = 16
NW = NC * NS
CHUNK = 128



def _matmul_body(x_ref, w_ref, o_ref):
    o_ref[...] = jnp.dot(x_ref[...], w_ref[...],
                         preferred_element_type=jnp.float32)


def _combine_matmul_body(p_ref, b_ref, w_ref, o_ref):
    h = jnp.maximum(p_ref[0] + p_ref[1] + b_ref[...], 0.0)
    o_ref[...] = jnp.dot(h, w_ref[...], preferred_element_type=jnp.float32)


def _combine_body(p_ref, b_ref, o_ref):
    o_ref[...] = jnp.maximum(p_ref[0] + p_ref[1] + b_ref[...], 0.0)


def _tc_matmul(x, w, block_rows):
    n, d = x.shape
    grid = n // block_rows
    return pl.pallas_call(
        _matmul_body,
        grid=(grid,),
        in_specs=[
            pl.BlockSpec((block_rows, d), lambda i: (i, 0)),
            pl.BlockSpec((d, d), lambda i: (0, 0)),
        ],
        out_specs=pl.BlockSpec((block_rows, d), lambda i: (i, 0)),
        out_shape=jax.ShapeDtypeStruct((n, d), jnp.float32),
    )(x, w)


def _tc_combine_matmul(p, b2d, w, block_rows):
    _, n, d = p.shape
    grid = n // block_rows
    return pl.pallas_call(
        _combine_matmul_body,
        grid=(grid,),
        in_specs=[
            pl.BlockSpec((2, block_rows, d), lambda i: (0, i, 0)),
            pl.BlockSpec((1, d), lambda i: (0, 0)),
            pl.BlockSpec((d, d), lambda i: (0, 0)),
        ],
        out_specs=pl.BlockSpec((block_rows, d), lambda i: (i, 0)),
        out_shape=jax.ShapeDtypeStruct((n, d), jnp.float32),
    )(p, b2d, w)


def _tc_combine(p, b2d, block_rows):
    _, n, d = p.shape
    grid = n // block_rows
    return pl.pallas_call(
        _combine_body,
        grid=(grid,),
        in_specs=[
            pl.BlockSpec((2, block_rows, d), lambda i: (0, i, 0)),
            pl.BlockSpec((1, d), lambda i: (0, 0)),
        ],
        out_specs=pl.BlockSpec((block_rows, d), lambda i: (i, 0)),
        out_shape=jax.ShapeDtypeStruct((n, d), jnp.float32),
    )(p, b2d)



def _make_sc_scatter(n_rows, d, acc_rows, chunks):
    mesh = plsc.VectorSubcoreMesh(core_axis_name="c", subcore_axis_name="s")
    zrows = acc_rows // NS
    ofull = ((n_rows + NS - 1) // NS + 7) // 8 * 8
    olast = n_rows - (NS - 1) * ofull
    assert olast > 0 and olast % 8 == 0

    @functools.partial(
        pl.kernel,
        out_type=jax.ShapeDtypeStruct((NC, n_rows, d), jnp.float32),
        mesh=mesh,
        scratch_types=[
            pltpu.VMEM((chunks, CHUNK), jnp.int32),
            pltpu.VMEM((chunks, CHUNK), jnp.int32),
            pltpu.VMEM((CHUNK, d), jnp.float32),
            pltpu.VMEM_SHARED((acc_rows, d), jnp.float32),
            pltpu.SemaphoreType.DMA,
        ],
    )
    def sc_scatter(support_hbm, idx_hbm, zeros_hbm, out_hbm,
                   col_v, row_v, buf, acc, sem):
        c = lax.axis_index("c")
        s = lax.axis_index("s")
        wid = s * NC + c

        pltpu.sync_copy(idx_hbm.at[wid, 0], col_v)
        pltpu.sync_copy(idx_hbm.at[wid, 1], row_v)
        pltpu.sync_copy(zeros_hbm.at[pl.ds(s * zrows, zrows)],
                        acc.at[pl.ds(s * zrows, zrows)])
        plsc.subcore_barrier()

        def body(j, carry):
            pltpu.async_copy(support_hbm.at[col_v.at[j]], buf, sem).wait()
            pltpu.sync_copy(buf, acc.at[row_v.at[j]], add=True)
            return carry

        lax.fori_loop(0, chunks, body, 0, unroll=False)
        plsc.subcore_barrier()

        @pl.when(s < NS - 1)
        def _():
            pltpu.sync_copy(acc.at[pl.ds(s * ofull, ofull)],
                            out_hbm.at[c, pl.ds(s * ofull, ofull)])

        @pl.when(s == NS - 1)
        def _():
            pltpu.sync_copy(acc.at[pl.ds((NS - 1) * ofull, olast)],
                            out_hbm.at[c, pl.ds((NS - 1) * ofull, olast)])

    return sc_scatter



def kernel(feature, edge_index, W1, b1, W2, b2, W3, b3):
    n, d = feature.shape
    e = edge_index.shape[1]

    chunks = -(-e // (NW * CHUNK))
    epw = chunks * CHUNK
    e_pad = epw * NW
    acc_rows = -(-(n + 1) // (NS * 8)) * NS * 8

    row = edge_index[0]
    col = edge_index[1]
    pad = e_pad - e
    junk = n + (jnp.arange(pad, dtype=jnp.int32) % (acc_rows - n))
    row_p = jnp.concatenate([row, junk])
    col_p = jnp.concatenate([col, jnp.zeros((pad,), jnp.int32)])
    row3 = row_p.reshape(NW, chunks, CHUNK)
    col3 = col_p.reshape(NW, chunks, CHUNK)
    idx4 = jnp.stack([col3, row3], axis=1)
    zeros = jnp.zeros((acc_rows, d), jnp.float32)

    sc_scatter = _make_sc_scatter(n, d, acc_rows, chunks)
    block_rows = 2000 if n % 2000 == 0 else n

    b1_2d = b1.reshape(1, d)
    b2_2d = b2.reshape(1, d)
    b3_2d = b3.reshape(1, d)

    support = _tc_matmul(feature, W1, block_rows)
    p = sc_scatter(support, idx4, zeros)
    support = _tc_combine_matmul(p, b1_2d, W2, block_rows)
    p = sc_scatter(support, idx4, zeros)
    support = _tc_combine_matmul(p, b2_2d, W3, block_rows)
    p = sc_scatter(support, idx4, zeros)
    return _tc_combine(p, b3_2d, block_rows)

# --- scband reference (transcript-rebuilt; emitter-appended) ---
"""Pipeline reference for scband-gcn-83090437308766 (READ-ONLY COPY).

The authoritative reference and input builder live on the scoring server;
editing this copy changes nothing except your own understanding.
"""

import jax, jax.numpy as jnp
import numpy as np
import math

N = 10000
D = 128
E = 320000


def setup_inputs(seed: int = 0) -> dict:
    key = jax.random.key(seed)
    ks = jax.random.split(key, 10)
    feature = jax.random.normal(ks[0], (N, D), dtype=jnp.float32)
    edge_index = jax.random.randint(ks[1], (2, E), 0, N, dtype=jnp.int32)
    stdv = 1.0 / math.sqrt(D)
    W1 = jax.random.uniform(ks[2], (D, D), minval=-stdv, maxval=stdv, dtype=jnp.float32)
    b1 = jax.random.uniform(ks[3], (D,), minval=-stdv, maxval=stdv, dtype=jnp.float32)
    W2 = jax.random.uniform(ks[4], (D, D), minval=-stdv, maxval=stdv, dtype=jnp.float32)
    b2 = jax.random.uniform(ks[5], (D,), minval=-stdv, maxval=stdv, dtype=jnp.float32)
    W3 = jax.random.uniform(ks[6], (D, D), minval=-stdv, maxval=stdv, dtype=jnp.float32)
    b3 = jax.random.uniform(ks[7], (D,), minval=-stdv, maxval=stdv, dtype=jnp.float32)
    return {"feature": feature, "edge_index": edge_index,
            "W1": W1, "b1": b1, "W2": W2, "b2": b2, "W3": W3, "b3": b3}


def reference(feature, edge_index, W1, b1, W2, b2, W3, b3):
    # adjacency is sparse COO with values=1; spmm(adj, support):
    # output[row] += support[col] for each edge (row=edge_index[0], col=edge_index[1])
    row = edge_index[0]
    col = edge_index[1]

    def gcn_layer(x, W, b):
        support = x @ W
        out = jnp.zeros_like(support).at[row].add(support[col])
        return out + b

    h = jax.nn.relu(gcn_layer(feature, W1, b1))
    h = jax.nn.relu(gcn_layer(h, W2, b2))
    h = jax.nn.relu(gcn_layer(h, W3, b3))
    return h

if __name__ == "__main__":
    import jax
    _d = setup_inputs()
    print(jax.jit(kernel)(*tuple(_d.values())))

</pallas_src>

<mosaic_0001>
#map = affine_map<(d0, d1) -> (0, 0)>
#map1 = affine_map<(d0, d1) -> (0, 0, 0, 0)>
#map2 = affine_map<(d0, d1) -> (0, 0, 0)>
module attributes {stable_mosaic.version = 14 : i64} {
  func.func @sc_scatter(%arg0: i32, %arg1: i32, %arg2: memref<10000x128xf32, #tpu.memory_space<hbm>>, %arg3: memref<32x2x79x128xi32, #tpu.memory_space<hbm>>, %arg4: memref<10112x128xf32, #tpu.memory_space<hbm>>, %arg5: memref<2x10000x128xf32, #tpu.memory_space<hbm>>, %arg6: memref<79x128xi32, #tpu.memory_space<vmem>>, %arg7: memref<79x128xi32, #tpu.memory_space<vmem>>, %arg8: memref<128x128xf32, #tpu.memory_space<vmem>>, %arg9: memref<10112x128xf32, #tpu.memory_space<vmem_shared>>, %arg10: memref<!tpu.dma_semaphore, #tpu.memory_space<semaphore_mem>>) attributes {dimension_semantics = [#tpu.dimension_semantics<core_parallel>, #tpu.dimension_semantics<subcore_parallel>], iteration_bounds = array<i64: 2, 16>, scalar_prefetch = 0 : i64, scratch_operands = 5 : i64, tpu.core_type = #tpu.core_type<sc_vector_subcore>, window_params = [{transform_indices = #map}, {transform_indices = #map1}, {transform_indices = #map}, {transform_indices = #map2}]} {
    %mul3A = arith.constant 2 : i32
    %mul3A_0 = arith.muli %arg1, %mul3A : i32
    %add3A = arith.addi %mul3A_0, %arg0 : i32
    %run_scoped3A = arith.constant 0 : i32
    "tpu.region"() ({
      %run_scoped3A_18 = tpu.sem_alloc : memref<!tpu.dma_semaphore, #tpu.memory_space<semaphore_mem>>
      %dma_start3A = arith.constant 0 : i32
      %dma_start3A_19 = arith.constant 0 : i32
      %dma_start3A_20 = tpu.memref_slice %arg3[%add3A, %run_scoped3A, %dma_start3A, %dma_start3A_19] : memref<32x2x79x128xi32, #tpu.memory_space<hbm>> -> memref<1x1x79x128xi32, #tpu.memory_space<hbm>>
      %dma_start3A_21 = tpu.memref_squeeze %dma_start3A_20 : memref<1x1x79x128xi32, #tpu.memory_space<hbm>> -> memref<79x128xi32, #tpu.memory_space<hbm>>
      %dma_start3A_22 = arith.constant 0 : i32
      %dma_start3A_23 = arith.constant 0 : i32
      %dma_start3A_24 = tpu.memref_slice %arg3[%add3A, %run_scoped3A, %dma_start3A_22, %dma_start3A_23] : memref<32x2x79x128xi32, #tpu.memory_space<hbm>> -> memref<1x1x79x128xi32, #tpu.memory_space<hbm>>
      %dma_start3A_25 = tpu.memref_squeeze %dma_start3A_24 : memref<1x1x79x128xi32, #tpu.memory_space<hbm>> -> memref<79x128xi32, #tpu.memory_space<hbm>>
      tpu.enqueue_dma source(%dma_start3A_25 : memref<79x128xi32, #tpu.memory_space<hbm>>) target(%arg6 : memref<79x128xi32, #tpu.memory_space<vmem>>) target_semaphore(%run_scoped3A_18 : memref<!tpu.dma_semaphore, #tpu.memory_space<semaphore_mem>>)
      %dma_wait3A = arith.constant 0 : i32
      %dma_wait3A_26 = arith.constant 0 : i32
      %dma_wait3A_27 = tpu.memref_slice %arg3[%add3A, %run_scoped3A, %dma_wait3A, %dma_wait3A_26] : memref<32x2x79x128xi32, #tpu.memory_space<hbm>> -> memref<1x1x79x128xi32, #tpu.memory_space<hbm>>
      %dma_wait3A_28 = tpu.memref_squeeze %dma_wait3A_27 : memref<1x1x79x128xi32, #tpu.memory_space<hbm>> -> memref<79x128xi32, #tpu.memory_space<hbm>>
      %dma_wait3A_29 = arith.constant 0 : i32
      %dma_wait3A_30 = arith.constant 0 : i32
      %dma_wait3A_31 = tpu.memref_slice %arg3[%add3A, %run_scoped3A, %dma_wait3A_29, %dma_wait3A_30] : memref<32x2x79x128xi32, #tpu.memory_space<hbm>> -> memref<1x1x79x128xi32, #tpu.memory_space<hbm>>
      %dma_wait3A_32 = tpu.memref_squeeze %dma_wait3A_31 : memref<1x1x79x128xi32, #tpu.memory_space<hbm>> -> memref<79x128xi32, #tpu.memory_space<hbm>>
      tpu.wait_dma2 semaphore(%run_scoped3A_18 : memref<!tpu.dma_semaphore, #tpu.memory_space<semaphore_mem>>) src(%dma_wait3A_32 : memref<79x128xi32, #tpu.memory_space<hbm>>) dst(%arg6 : memref<79x128xi32, #tpu.memory_space<vmem>>)
      tpu.yield
    }) : () -> ()
    %run_scoped3A_1 = arith.constant 1 : i32
    "tpu.region"() ({
      %run_scoped3A_18 = tpu.sem_alloc : memref<!tpu.dma_semaphore, #tpu.memory_space<semaphore_mem>>
      %dma_start3A = arith.constant 0 : i32
      %dma_start3A_19 = arith.constant 0 : i32
      %dma_start3A_20 = tpu.memref_slice %arg3[%add3A, %run_scoped3A_1, %dma_start3A, %dma_start3A_19] : memref<32x2x79x128xi32, #tpu.memory_space<hbm>> -> memref<1x1x79x128xi32, #tpu.memory_space<hbm>>
      %dma_start3A_21 = tpu.memref_squeeze %dma_start3A_20 : memref<1x1x79x128xi32, #tpu.memory_space<hbm>> -> memref<79x128xi32, #tpu.memory_space<hbm>>
      %dma_start3A_22 = arith.constant 0 : i32
      %dma_start3A_23 = arith.constant 0 : i32
      %dma_start3A_24 = tpu.memref_slice %arg3[%add3A, %run_scoped3A_1, %dma_start3A_22, %dma_start3A_23] : memref<32x2x79x128xi32, #tpu.memory_space<hbm>> -> memref<1x1x79x128xi32, #tpu.memory_space<hbm>>
      %dma_start3A_25 = tpu.memref_squeeze %dma_start3A_24 : memref<1x1x79x128xi32, #tpu.memory_space<hbm>> -> memref<79x128xi32, #tpu.memory_space<hbm>>
      tpu.enqueue_dma source(%dma_start3A_25 : memref<79x128xi32, #tpu.memory_space<hbm>>) target(%arg7 : memref<79x128xi32, #tpu.memory_space<vmem>>) target_semaphore(%run_scoped3A_18 : memref<!tpu.dma_semaphore, #tpu.memory_space<semaphore_mem>>)
      %dma_wait3A = arith.constant 0 : i32
      %dma_wait3A_26 = arith.constant 0 : i32
      %dma_wait3A_27 = tpu.memref_slice %arg3[%add3A, %run_scoped3A_1, %dma_wait3A, %dma_wait3A_26] : memref<32x2x79x128xi32, #tpu.memory_space<hbm>> -> memref<1x1x79x128xi32, #tpu.memory_space<hbm>>
      %dma_wait3A_28 = tpu.memref_squeeze %dma_wait3A_27 : memref<1x1x79x128xi32, #tpu.memory_space<hbm>> -> memref<79x128xi32, #tpu.memory_space<hbm>>
      %dma_wait3A_29 = arith.constant 0 : i32
      %dma_wait3A_30 = arith.constant 0 : i32
      %dma_wait3A_31 = tpu.memref_slice %arg3[%add3A, %run_scoped3A_1, %dma_wait3A_29, %dma_wait3A_30] : memref<32x2x79x128xi32, #tpu.memory_space<hbm>> -> memref<1x1x79x128xi32, #tpu.memory_space<hbm>>
      %dma_wait3A_32 = tpu.memref_squeeze %dma_wait3A_31 : memref<1x1x79x128xi32, #tpu.memory_space<hbm>> -> memref<79x128xi32, #tpu.memory_space<hbm>>
      tpu.wait_dma2 semaphore(%run_scoped3A_18 : memref<!tpu.dma_semaphore, #tpu.memory_space<semaphore_mem>>) src(%dma_wait3A_32 : memref<79x128xi32, #tpu.memory_space<hbm>>) dst(%arg7 : memref<79x128xi32, #tpu.memory_space<vmem>>)
      tpu.yield
    }) : () -> ()
    %mul3A_2 = arith.constant 632 : i32
    %mul3A_3 = arith.muli %arg1, %mul3A_2 : i32
    %mul3A_4 = arith.constant 632 : i32
    %mul3A_5 = arith.muli %arg1, %mul3A_4 : i32
    "tpu.region"() ({
      %run_scoped3A_18 = tpu.sem_alloc : memref<!tpu.dma_semaphore, #tpu.memory_space<semaphore_mem>>
      %dma_start3A = arith.constant 0 : i32
      %dma_start3A_19 = tpu.memref_slice %arg9[%mul3A_5, %dma_start3A] : memref<10112x128xf32, #tpu.memory_space<vmem_shared>> -> memref<632x128xf32, #tpu.memory_space<vmem_shared>>
      %dma_start3A_20 = arith.constant 0 : i32
      %dma_start3A_21 = tpu.memref_slice %arg4[%mul3A_3, %dma_start3A_20] : memref<10112x128xf32, #tpu.memory_space<hbm>> -> memref<632x128xf32, #tpu.memory_space<hbm>>
      tpu.enqueue_dma source(%dma_start3A_21 : memref<632x128xf32, #tpu.memory_space<hbm>>) target(%dma_start3A_19 : memref<632x128xf32, #tpu.memory_space<vmem_shared>>) target_semaphore(%run_scoped3A_18 : memref<!tpu.dma_semaphore, #tpu.memory_space<semaphore_mem>>)
      %dma_wait3A = arith.constant 0 : i32
      %dma_wait3A_22 = tpu.memref_slice %arg9[%mul3A_5, %dma_wait3A] : memref<10112x128xf32, #tpu.memory_space<vmem_shared>> -> memref<632x128xf32, #tpu.memory_space<vmem_shared>>
      %dma_wait3A_23 = arith.constant 0 : i32
      %dma_wait3A_24 = tpu.memref_slice %arg4[%mul3A_3, %dma_wait3A_23] : memref<10112x128xf32, #tpu.memory_space<hbm>> -> memref<632x128xf32, #tpu.memory_space<hbm>>
      tpu.wait_dma2 semaphore(%run_scoped3A_18 : memref<!tpu.dma_semaphore, #tpu.memory_space<semaphore_mem>>) src(%dma_wait3A_24 : memref<632x128xf32, #tpu.memory_space<hbm>>) dst(%dma_wait3A_22 : memref<632x128xf32, #tpu.memory_space<vmem_shared>>)
      tpu.yield
    }) : () -> ()
    %barrier3A = arith.constant 0 : index
    tpu.barrier barrier_id(%barrier3A)
    %scan3A = arith.constant 0 : i32
    %scan3A_6 = arith.constant 0 : i32
    %scan3A_7 = arith.constant 79 : i32
    %scan3A_8 = arith.addi %scan3A_6, %scan3A_7 : i32
    %scan3A_9 = arith.constant 1 : i32
    scf.for %scan3A_18 = %scan3A_6 to %scan3A_8 step %scan3A_9  : i32 {
      %dma_start3A = arith.constant 0 : i32
      %dma_start3A_19 = tpu.memref_slice %arg6[%scan3A_18, %dma_start3A] : memref<79x128xi32, #tpu.memory_space<vmem>> -> memref<1x128xi32, #tpu.memory_space<vmem>>
      %dma_start3A_20 = tpu.memref_squeeze %dma_start3A_19 : memref<1x128xi32, #tpu.memory_space<vmem>> -> memref<128xi32, #tpu.memory_space<vmem>>
      %dma_start3A_21 = arith.constant 0 : i32
      %dma_start3A_22 = arith.constant 0 : i32
      %dma_start3A_23 = tpu.memref_slice %arg2[%dma_start3A_21, %dma_start3A_22] : memref<10000x128xf32, #tpu.memory_space<hbm>> -> memref<10000x128xf32, #tpu.memory_space<hbm>>
      tpu.enqueue_indirect_dma source(%dma_start3A_23 : memref<10000x128xf32, #tpu.memory_space<hbm>>) target(%arg8 : memref<128x128xf32, #tpu.memory_space<vmem>>) offsets(%dma_start3A_20 : memref<128xi32, #tpu.memory_space<vmem>>) semaphore(%arg10 : memref<!tpu.dma_semaphore, #tpu.memory_space<semaphore_mem>>)
      %dma_wait3A = arith.constant 0 : i32
      %dma_wait3A_24 = tpu.memref_slice %arg6[%scan3A_18, %dma_wait3A] : memref<79x128xi32, #tpu.memory_space<vmem>> -> memref<1x128xi32, #tpu.memory_space<vmem>>
      %dma_wait3A_25 = tpu.memref_squeeze %dma_wait3A_24 : memref<1x128xi32, #tpu.memory_space<vmem>> -> memref<128xi32, #tpu.memory_space<vmem>>
      %dma_wait3A_26 = arith.constant 0 : i32
      %dma_wait3A_27 = arith.constant 0 : i32
      %dma_wait3A_28 = tpu.memref_slice %arg2[%dma_wait3A_26, %dma_wait3A_27] : memref<10000x128xf32, #tpu.memory_space<hbm>> -> memref<10000x128xf32, #tpu.memory_space<hbm>>
      tpu.wait_indirect_dma semaphore(%arg10 : memref<!tpu.dma_semaphore, #tpu.memory_space<semaphore_mem>>) src(%dma_wait3A_28 : memref<10000x128xf32, #tpu.memory_space<hbm>>) dst(%arg8 : memref<128x128xf32, #tpu.memory_space<vmem>>)
      "tpu.region"() ({
        %run_scoped3A_29 = tpu.sem_alloc : memref<!tpu.dma_semaphore, #tpu.memory_space<semaphore_mem>>
        %dma_start3A_30 = arith.constant 0 : i32
        %dma_start3A_31 = tpu.memref_slice %arg7[%scan3A_18, %dma_start3A_30] : memref<79x128xi32, #tpu.memory_space<vmem>> -> memref<1x128xi32, #tpu.memory_space<vmem>>
        %dma_start3A_32 = tpu.memref_squeeze %dma_start3A_31 : memref<1x128xi32, #tpu.memory_space<vmem>> -> memref<128xi32, #tpu.memory_space<vmem>>
        %dma_start3A_33 = arith.constant 0 : i32
        %dma_start3A_34 = arith.constant 0 : i32
        %dma_start3A_35 = tpu.memref_slice %arg9[%dma_start3A_33, %dma_start3A_34] : memref<10112x128xf32, #tpu.memory_space<vmem_shared>> -> memref<10112x128xf32, #tpu.memory_space<vmem_shared>>
        tpu.enqueue_indirect_dma source(%arg8 : memref<128x128xf32, #tpu.memory_space<vmem>>) target(%dma_start3A_35 : memref<10112x128xf32, #tpu.memory_space<vmem_shared>>) offsets(%dma_start3A_32 : memref<128xi32, #tpu.memory_space<vmem>>) semaphore(%run_scoped3A_29 : memref<!tpu.dma_semaphore, #tpu.memory_space<semaphore_mem>>) {add = true}
        %dma_wait3A_36 = arith.constant 0 : i32
        %dma_wait3A_37 = tpu.memref_slice %arg7[%scan3A_18, %dma_wait3A_36] : memref<79x128xi32, #tpu.memory_space<vmem>> -> memref<1x128xi32, #tpu.memory_space<vmem>>
        %dma_wait3A_38 = tpu.memref_squeeze %dma_wait3A_37 : memref<1x128xi32, #tpu.memory_space<vmem>> -> memref<128xi32, #tpu.memory_space<vmem>>
        %dma_wait3A_39 = arith.constant 0 : i32
        %dma_wait3A_40 = arith.constant 0 : i32
        %dma_wait3A_41 = tpu.memref_slice %arg9[%dma_wait3A_39, %dma_wait3A_40] : memref<10112x128xf32, #tpu.memory_space<vmem_shared>> -> memref<10112x128xf32, #tpu.memory_space<vmem_shared>>
        tpu.wait_indirect_dma semaphore(%run_scoped3A_29 : memref<!tpu.dma_semaphore, #tpu.memory_space<semaphore_mem>>) src(%arg8 : memref<128x128xf32, #tpu.memory_space<vmem>>) dst(%dma_wait3A_41 : memref<10112x128xf32, #tpu.memory_space<vmem_shared>>)
        tpu.yield
      }) : () -> ()
    }
    %scan3A_10 = arith.constant 79 : i32
    %barrier3A_11 = arith.constant 0 : index
    tpu.barrier barrier_id(%barrier3A_11)
    %lt3A = arith.constant 15 : i32
    %lt3A_12 = arith.cmpi slt, %arg1, %lt3A : i32
    %convert_element_type3A = arith.extui %lt3A_12 : i1 to i32
    %cond3A = arith.constant 0 : i32
    %cond3A_13 = arith.cmpi ne, %convert_element_type3A, %cond3A : i32
    scf.if %cond3A_13 {
      %mul3A_18 = arith.constant 632 : i32
      %mul3A_19 = arith.muli %arg1, %mul3A_18 : i32
      %mul3A_20 = arith.constant 632 : i32
      %mul3A_21 = arith.muli %arg1, %mul3A_20 : i32
      "tpu.region"() ({
        %run_scoped3A_22 = tpu.sem_alloc : memref<!tpu.dma_semaphore, #tpu.memory_space<semaphore_mem>>
        %dma_start3A = arith.constant 0 : i32
        %dma_start3A_23 = tpu.memref_slice %arg5[%arg0, %mul3A_21, %dma_start3A] : memref<2x10000x128xf32, #tpu.memory_space<hbm>> -> memref<1x632x128xf32, #tpu.memory_space<hbm>>
        %dma_start3A_24 = tpu.memref_squeeze %dma_start3A_23 : memref<1x632x128xf32, #tpu.memory_space<hbm>> -> memref<632x128xf32, #tpu.memory_space<hbm>>
        %dma_start3A_25 = arith.constant 0 : i32
        %dma_start3A_26 = tpu.memref_slice %arg9[%mul3A_19, %dma_start3A_25] : memref<10112x128xf32, #tpu.memory_space<vmem_shared>> -> memref<632x128xf32, #tpu.memory_space<vmem_shared>>
        tpu.enqueue_dma source(%dma_start3A_26 : memref<632x128xf32, #tpu.memory_space<vmem_shared>>) target(%dma_start3A_24 : memref<632x128xf32, #tpu.memory_space<hbm>>) target_semaphore(%run_scoped3A_22 : memref<!tpu.dma_semaphore, #tpu.memory_space<semaphore_mem>>)
        %dma_wait3A = arith.constant 0 : i32
        %dma_wait3A_27 = tpu.memref_slice %arg5[%arg0, %mul3A_21, %dma_wait3A] : memref<2x10000x128xf32, #tpu.memory_space<hbm>> -> memref<1x632x128xf32, #tpu.memory_space<hbm>>
        %dma_wait3A_28 = tpu.memref_squeeze %dma_wait3A_27 : memref<1x632x128xf32, #tpu.memory_space<hbm>> -> memref<632x128xf32, #tpu.memory_space<hbm>>
        %dma_wait3A_29 = arith.constant 0 : i32
        %dma_wait3A_30 = tpu.memref_slice %arg9[%mul3A_19, %dma_wait3A_29] : memref<10112x128xf32, #tpu.memory_space<vmem_shared>> -> memref<632x128xf32, #tpu.memory_space<vmem_shared>>
        tpu.wait_dma2 semaphore(%run_scoped3A_22 : memref<!tpu.dma_semaphore, #tpu.memory_space<semaphore_mem>>) src(%dma_wait3A_30 : memref<632x128xf32, #tpu.memory_space<vmem_shared>>) dst(%dma_wait3A_28 : memref<632x128xf32, #tpu.memory_space<hbm>>)
        tpu.yield
      }) : () -> ()
    } else {
    }
    %eq3A = arith.constant 15 : i32
    %eq3A_14 = arith.cmpi eq, %arg1, %eq3A : i32
    %convert_element_type3A_15 = arith.extui %eq3A_14 : i1 to i32
    %cond3A_16 = arith.constant 0 : i32
    %cond3A_17 = arith.cmpi ne, %convert_element_type3A_15, %cond3A_16 : i32
    scf.if %cond3A_17 {
      "tpu.region"() ({
        %run_scoped3A_18 = tpu.sem_alloc : memref<!tpu.dma_semaphore, #tpu.memory_space<semaphore_mem>>
        %dma_start3A = arith.constant 9480 : i32
        %dma_start3A_19 = arith.constant 0 : i32
        %dma_start3A_20 = tpu.memref_slice %arg5[%arg0, %dma_start3A, %dma_start3A_19] : memref<2x10000x128xf32, #tpu.memory_space<hbm>> -> memref<1x520x128xf32, #tpu.memory_space<hbm>>
        %dma_start3A_21 = tpu.memref_squeeze %dma_start3A_20 : memref<1x520x128xf32, #tpu.memory_space<hbm>> -> memref<520x128xf32, #tpu.memory_space<hbm>>
        %dma_start3A_22 = arith.constant 9480 : i32
        %dma_start3A_23 = arith.constant 0 : i32
        %dma_start3A_24 = tpu.memref_slice %arg9[%dma_start3A_22, %dma_start3A_23] : memref<10112x128xf32, #tpu.memory_space<vmem_shared>> -> memref<520x128xf32, #tpu.memory_space<vmem_shared>>
        tpu.enqueue_dma source(%dma_start3A_24 : memref<520x128xf32, #tpu.memory_space<vmem_shared>>) target(%dma_start3A_21 : memref<520x128xf32, #tpu.memory_space<hbm>>) target_semaphore(%run_scoped3A_18 : memref<!tpu.dma_semaphore, #tpu.memory_space<semaphore_mem>>)
        %dma_wait3A = arith.constant 9480 : i32
        %dma_wait3A_25 = arith.constant 0 : i32
        %dma_wait3A_26 = tpu.memref_slice %arg5[%arg0, %dma_wait3A, %dma_wait3A_25] : memref<2x10000x128xf32, #tpu.memory_space<hbm>> -> memref<1x520x128xf32, #tpu.memory_space<hbm>>
        %dma_wait3A_27 = tpu.memref_squeeze %dma_wait3A_26 : memref<1x520x128xf32, #tpu.memory_space<hbm>> -> memref<520x128xf32, #tpu.memory_space<hbm>>
        %dma_wait3A_28 = arith.constant 9480 : i32
        %dma_wait3A_29 = arith.constant 0 : i32
        %dma_wait3A_30 = tpu.memref_slice %arg9[%dma_wait3A_28, %dma_wait3A_29] : memref<10112x128xf32, #tpu.memory_space<vmem_shared>> -> memref<520x128xf32, #tpu.memory_space<vmem_shared>>
        tpu.wait_dma2 semaphore(%run_scoped3A_18 : memref<!tpu.dma_semaphore, #tpu.memory_space<semaphore_mem>>) src(%dma_wait3A_30 : memref<520x128xf32, #tpu.memory_space<vmem_shared>>) dst(%dma_wait3A_27 : memref<520x128xf32, #tpu.memory_space<hbm>>)
        tpu.yield
      }) : () -> ()
    } else {
    }
    return
  }
}

#map = affine_map<(d0, d1) -> (0, 0)>
#map1 = affine_map<(d0, d1) -> (0, 0, 0, 0)>
#map2 = affine_map<(d0, d1) -> (0, 0, 0)>
module attributes {stable_mosaic.version = 14 : i64} {
  func.func @sc_scatter(%arg0: i32, %arg1: i32, %arg2: memref<10000x128xf32, #tpu.memory_space<hbm>>, %arg3: memref<32x2x79x128xi32, #tpu.memory_space<hbm>>, %arg4: memref<10112x128xf32, #tpu.memory_space<hbm>>, %arg5: memref<2x10000x128xf32, #tpu.memory_space<hbm>>, %arg6: memref<79x128xi32, #tpu.memory_space<vmem>>, %arg7: memref<79x128xi32, #tpu.memory_space<vmem>>, %arg8: memref<128x128xf32, #tpu.memory_space<vmem>>, %arg9: memref<10112x128xf32, #tpu.memory_space<vmem_shared>>, %arg10: memref<!tpu.dma_semaphore, #tpu.memory_space<semaphore_mem>>) attributes {dimension_semantics = [#tpu.dimension_semantics<core_parallel>, #tpu.dimension_semantics<subcore_parallel>], iteration_bounds = array<i64: 2, 16>, scalar_prefetch = 0 : i64, scratch_operands = 5 : i64, tpu.core_type = #tpu.core_type<sc_vector_subcore>, window_params = [{transform_indices = #map}, {transform_indices = #map1}, {transform_indices = #map}, {transform_indices = #map2}]} {
    %mul3A = arith.constant 2 : i32
    %mul3A_0 = arith.muli %arg1, %mul3A : i32
    %add3A = arith.addi %mul3A_0, %arg0 : i32
    %run_scoped3A = arith.constant 0 : i32
    "tpu.region"() ({
      %run_scoped3A_18 = tpu.sem_alloc : memref<!tpu.dma_semaphore, #tpu.memory_space<semaphore_mem>>
      %dma_start3A = arith.constant 0 : i32
      %dma_start3A_19 = arith.constant 0 : i32
      %dma_start3A_20 = tpu.memref_slice %arg3[%add3A, %run_scoped3A, %dma_start3A, %dma_start3A_19] : memref<32x2x79x128xi32, #tpu.memory_space<hbm>> -> memref<1x1x79x128xi32, #tpu.memory_space<hbm>>
      %dma_start3A_21 = tpu.memref_squeeze %dma_start3A_20 : memref<1x1x79x128xi32, #tpu.memory_space<hbm>> -> memref<79x128xi32, #tpu.memory_space<hbm>>
      %dma_start3A_22 = arith.constant 0 : i32
      %dma_start3A_23 = arith.constant 0 : i32
      %dma_start3A_24 = tpu.memref_slice %arg3[%add3A, %run_scoped3A, %dma_start3A_22, %dma_start3A_23] : memref<32x2x79x128xi32, #tpu.memory_space<hbm>> -> memref<1x1x79x128xi32, #tpu.memory_space<hbm>>
      %dma_start3A_25 = tpu.memref_squeeze %dma_start3A_24 : memref<1x1x79x128xi32, #tpu.memory_space<hbm>> -> memref<79x128xi32, #tpu.memory_space<hbm>>
      tpu.enqueue_dma source(%dma_start3A_25 : memref<79x128xi32, #tpu.memory_space<hbm>>) target(%arg6 : memref<79x128xi32, #tpu.memory_space<vmem>>) target_semaphore(%run_scoped3A_18 : memref<!tpu.dma_semaphore, #tpu.memory_space<semaphore_mem>>)
      %dma_wait3A = arith.constant 0 : i32
      %dma_wait3A_26 = arith.constant 0 : i32
      %dma_wait3A_27 = tpu.memref_slice %arg3[%add3A, %run_scoped3A, %dma_wait3A, %dma_wait3A_26] : memref<32x2x79x128xi32, #tpu.memory_space<hbm>> -> memref<1x1x79x128xi32, #tpu.memory_space<hbm>>
      %dma_wait3A_28 = tpu.memref_squeeze %dma_wait3A_27 : memref<1x1x79x128xi32, #tpu.memory_space<hbm>> -> memref<79x128xi32, #tpu.memory_space<hbm>>
      %dma_wait3A_29 = arith.constant 0 : i32
      %dma_wait3A_30 = arith.constant 0 : i32
      %dma_wait3A_31 = tpu.memref_slice %arg3[%add3A, %run_scoped3A, %dma_wait3A_29, %dma_wait3A_30] : memref<32x2x79x128xi32, #tpu.memory_space<hbm>> -> memref<1x1x79x128xi32, #tpu.memory_space<hbm>>
      %dma_wait3A_32 = tpu.memref_squeeze %dma_wait3A_31 : memref<1x1x79x128xi32, #tpu.memory_space<hbm>> -> memref<79x128xi32, #tpu.memory_space<hbm>>
      tpu.wait_dma2 semaphore(%run_scoped3A_18 : memref<!tpu.dma_semaphore, #tpu.memory_space<semaphore_mem>>) src(%dma_wait3A_32 : memref<79x128xi32, #tpu.memory_space<hbm>>) dst(%arg6 : memref<79x128xi32, #tpu.memory_space<vmem>>)
      tpu.yield
    }) : () -> ()
    %run_scoped3A_1 = arith.constant 1 : i32
    "tpu.region"() ({
      %run_scoped3A_18 = tpu.sem_alloc : memref<!tpu.dma_semaphore, #tpu.memory_space<semaphore_mem>>
      %dma_start3A = arith.constant 0 : i32
      %dma_start3A_19 = arith.constant 0 : i32
      %dma_start3A_20 = tpu.memref_slice %arg3[%add3A, %run_scoped3A_1, %dma_start3A, %dma_start3A_19] : memref<32x2x79x128xi32, #tpu.memory_space<hbm>> -> memref<1x1x79x128xi32, #tpu.memory_space<hbm>>
      %dma_start3A_21 = tpu.memref_squeeze %dma_start3A_20 : memref<1x1x79x128xi32, #tpu.memory_space<hbm>> -> memref<79x128xi32, #tpu.memory_space<hbm>>
      %dma_start3A_22 = arith.constant 0 : i32
      %dma_start3A_23 = arith.constant 0 : i32
      %dma_start3A_24 = tpu.memref_slice %arg3[%add3A, %run_scoped3A_1, %dma_start3A_22, %dma_start3A_23] : memref<32x2x79x128xi32, #tpu.memory_space<hbm>> -> memref<1x1x79x128xi32, #tpu.memory_space<hbm>>
      %dma_start3A_25 = tpu.memref_squeeze %dma_start3A_24 : memref<1x1x79x128xi32, #tpu.memory_space<hbm>> -> memref<79x128xi32, #tpu.memory_space<hbm>>
      tpu.enqueue_dma source(%dma_start3A_25 : memref<79x128xi32, #tpu.memory_space<hbm>>) target(%arg7 : memref<79x128xi32, #tpu.memory_space<vmem>>) target_semaphore(%run_scoped3A_18 : memref<!tpu.dma_semaphore, #tpu.memory_space<semaphore_mem>>)
      %dma_wait3A = arith.constant 0 : i32
      %dma_wait3A_26 = arith.constant 0 : i32
      %dma_wait3A_27 = tpu.memref_slice %arg3[%add3A, %run_scoped3A_1, %dma_wait3A, %dma_wait3A_26] : memref<32x2x79x128xi32, #tpu.memory_space<hbm>> -> memref<1x1x79x128xi32, #tpu.memory_space<hbm>>
      %dma_wait3A_28 = tpu.memref_squeeze %dma_wait3A_27 : memref<1x1x79x128xi32, #tpu.memory_space<hbm>> -> memref<79x128xi32, #tpu.memory_space<hbm>>
      %dma_wait3A_29 = arith.constant 0 : i32
      %dma_wait3A_30 = arith.constant 0 : i32
      %dma_wait3A_31 = tpu.memref_slice %arg3[%add3A, %run_scoped3A_1, %dma_wait3A_29, %dma_wait3A_30] : memref<32x2x79x128xi32, #tpu.memory_space<hbm>> -> memref<1x1x79x128xi32, #tpu.memory_space<hbm>>
      %dma_wait3A_32 = tpu.memref_squeeze %dma_wait3A_31 : memref<1x1x79x128xi32, #tpu.memory_space<hbm>> -> memref<79x128xi32, #tpu.memory_space<hbm>>
      tpu.wait_dma2 semaphore(%run_scoped3A_18 : memref<!tpu.dma_semaphore, #tpu.memory_space<semaphore_mem>>) src(%dma_wait3A_32 : memref<79x128xi32, #tpu.memory_space<hbm>>) dst(%arg7 : memref<79x128xi32, #tpu.memory_space<vmem>>)
      tpu.yield
    }) : () -> ()
    %mul3A_2 = arith.constant 632 : i32
    %mul3A_3 = arith.muli %arg1, %mul3A_2 : i32
    %mul3A_4 = arith.constant 632 : i32
    %mul3A_5 = arith.muli %arg1, %mul3A_4 : i32
    "tpu.region"() ({
      %run_scoped3A_18 = tpu.sem_alloc : memref<!tpu.dma_semaphore, #tpu.memory_space<semaphore_mem>>
      %dma_start3A = arith.constant 0 : i32
      %dma_start3A_19 = tpu.memref_slice %arg9[%mul3A_5, %dma_start3A] : memref<10112x128xf32, #tpu.memory_space<vmem_shared>> -> memref<632x128xf32, #tpu.memory_space<vmem_shared>>
      %dma_start3A_20 = arith.constant 0 : i32
      %dma_start3A_21 = tpu.memref_slice %arg4[%mul3A_3, %dma_start3A_20] : memref<10112x128xf32, #tpu.memory_space<hbm>> -> memref<632x128xf32, #tpu.memory_space<hbm>>
      tpu.enqueue_dma source(%dma_start3A_21 : memref<632x128xf32, #tpu.memory_space<hbm>>) target(%dma_start3A_19 : memref<632x128xf32, #tpu.memory_space<vmem_shared>>) target_semaphore(%run_scoped3A_18 : memref<!tpu.dma_semaphore, #tpu.memory_space<semaphore_mem>>)
      %dma_wait3A = arith.constant 0 : i32
      %dma_wait3A_22 = tpu.memref_slice %arg9[%mul3A_5, %dma_wait3A] : memref<10112x128xf32, #tpu.memory_space<vmem_shared>> -> memref<632x128xf32, #tpu.memory_space<vmem_shared>>
      %dma_wait3A_23 = arith.constant 0 : i32
      %dma_wait3A_24 = tpu.memref_slice %arg4[%mul3A_3, %dma_wait3A_23] : memref<10112x128xf32, #tpu.memory_space<hbm>> -> memref<632x128xf32, #tpu.memory_space<hbm>>
      tpu.wait_dma2 semaphore(%run_scoped3A_18 : memref<!tpu.dma_semaphore, #tpu.memory_space<semaphore_mem>>) src(%dma_wait3A_24 : memref<632x128xf32, #tpu.memory_space<hbm>>) dst(%dma_wait3A_22 : memref<632x128xf32, #tpu.memory_space<vmem_shared>>)
      tpu.yield
    }) : () -> ()
    %barrier3A = arith.constant 0 : index
    tpu.barrier barrier_id(%barrier3A)
    %scan3A = arith.constant 0 : i32
    %scan3A_6 = arith.constant 0 : i32
    %scan3A_7 = arith.constant 79 : i32
    %scan3A_8 = arith.addi %scan3A_6, %scan3A_7 : i32
    %scan3A_9 = arith.constant 1 : i32
    scf.for %scan3A_18 = %scan3A_6 to %scan3A_8 step %scan3A_9  : i32 {
      %dma_start3A = arith.constant 0 : i32
      %dma_start3A_19 = tpu.memref_slice %arg6[%scan3A_18, %dma_start3A] : memref<79x128xi32, #tpu.memory_space<vmem>> -> memref<1x128xi32, #tpu.memory_space<vmem>>
      %dma_start3A_20 = tpu.memref_squeeze %dma_start3A_19 : memref<1x128xi32, #tpu.memory_space<vmem>> -> memref<128xi32, #tpu.memory_space<vmem>>
      %dma_start3A_21 = arith.constant 0 : i32
      %dma_start3A_22 = arith.constant 0 : i32
      %dma_start3A_23 = tpu.memref_slice %arg2[%dma_start3A_21, %dma_start3A_22] : memref<10000x128xf32, #tpu.memory_space<hbm>> -> memref<10000x128xf32, #tpu.memory_space<hbm>>
      tpu.enqueue_indirect_dma source(%dma_start3A_23 : memref<10000x128xf32, #tpu.memory_space<hbm>>) target(%arg8 : memref<128x128xf32, #tpu.memory_space<vmem>>) offsets(%dma_start3A_20 : memref<128xi32, #tpu.memory_space<vmem>>) semaphore(%arg10 : memref<!tpu.dma_semaphore, #tpu.memory_space<semaphore_mem>>)
      %dma_wait3A = arith.constant 0 : i32
      %dma_wait3A_24 = tpu.memref_slice %arg6[%scan3A_18, %dma_wait3A] : memref<79x128xi32, #tpu.memory_space<vmem>> -> memref<1x128xi32, #tpu.memory_space<vmem>>
      %dma_wait3A_25 = tpu.memref_squeeze %dma_wait3A_24 : memref<1x128xi32, #tpu.memory_space<vmem>> -> memref<128xi32, #tpu.memory_space<vmem>>
      %dma_wait3A_26 = arith.constant 0 : i32
      %dma_wait3A_27 = arith.constant 0 : i32
      %dma_wait3A_28 = tpu.memref_slice %arg2[%dma_wait3A_26, %dma_wait3A_27] : memref<10000x128xf32, #tpu.memory_space<hbm>> -> memref<10000x128xf32, #tpu.memory_space<hbm>>
      tpu.wait_indirect_dma semaphore(%arg10 : memref<!tpu.dma_semaphore, #tpu.memory_space<semaphore_mem>>) src(%dma_wait3A_28 : memref<10000x128xf32, #tpu.memory_space<hbm>>) dst(%arg8 : memref<128x128xf32, #tpu.memory_space<vmem>>)
      "tpu.region"() ({
        %run_scoped3A_29 = tpu.sem_alloc : memref<!tpu.dma_semaphore, #tpu.memory_space<semaphore_mem>>
        %dma_start3A_30 = arith.constant 0 : i32
        %dma_start3A_31 = tpu.memref_slice %arg7[%scan3A_18, %dma_start3A_30] : memref<79x128xi32, #tpu.memory_space<vmem>> -> memref<1x128xi32, #tpu.memory_space<vmem>>
        %dma_start3A_32 = tpu.memref_squeeze %dma_start3A_31 : memref<1x128xi32, #tpu.memory_space<vmem>> -> memref<128xi32, #tpu.memory_space<vmem>>
        %dma_start3A_33 = arith.constant 0 : i32
        %dma_start3A_34 = arith.constant 0 : i32
        %dma_start3A_35 = tpu.memref_slice %arg9[%dma_start3A_33, %dma_start3A_34] : memref<10112x128xf32, #tpu.memory_space<vmem_shared>> -> memref<10112x128xf32, #tpu.memory_space<vmem_shared>>
        tpu.enqueue_indirect_dma source(%arg8 : memref<128x128xf32, #tpu.memory_space<vmem>>) target(%dma_start3A_35 : memref<10112x128xf32, #tpu.memory_space<vmem_shared>>) offsets(%dma_start3A_32 : memref<128xi32, #tpu.memory_space<vmem>>) semaphore(%run_scoped3A_29 : memref<!tpu.dma_semaphore, #tpu.memory_space<semaphore_mem>>) {add = true}
        %dma_wait3A_36 = arith.constant 0 : i32
        %dma_wait3A_37 = tpu.memref_slice %arg7[%scan3A_18, %dma_wait3A_36] : memref<79x128xi32, #tpu.memory_space<vmem>> -> memref<1x128xi32, #tpu.memory_space<vmem>>
        %dma_wait3A_38 = tpu.memref_squeeze %dma_wait3A_37 : memref<1x128xi32, #tpu.memory_space<vmem>> -> memref<128xi32, #tpu.memory_space<vmem>>
        %dma_wait3A_39 = arith.constant 0 : i32
        %dma_wait3A_40 = arith.constant 0 : i32
        %dma_wait3A_41 = tpu.memref_slice %arg9[%dma_wait3A_39, %dma_wait3A_40] : memref<10112x128xf32, #tpu.memory_space<vmem_shared>> -> memref<10112x128xf32, #tpu.memory_space<vmem_shared>>
        tpu.wait_indirect_dma semaphore(%run_scoped3A_29 : memref<!tpu.dma_semaphore, #tpu.memory_space<semaphore_mem>>) src(%arg8 : memref<128x128xf32, #tpu.memory_space<vmem>>) dst(%dma_wait3A_41 : memref<10112x128xf32, #tpu.memory_space<vmem_shared>>)
        tpu.yield
      }) : () -> ()
    }
    %scan3A_10 = arith.constant 79 : i32
    %barrier3A_11 = arith.constant 0 : index
    tpu.barrier barrier_id(%barrier3A_11)
    %lt3A = arith.constant 15 : i32
    %lt3A_12 = arith.cmpi slt, %arg1, %lt3A : i32
    %convert_element_type3A = arith.extui %lt3A_12 : i1 to i32
    %cond3A = arith.constant 0 : i32
    %cond3A_13 = arith.cmpi ne, %convert_element_type3A, %cond3A : i32
    scf.if %cond3A_13 {
      %mul3A_18 = arith.constant 632 : i32
      %mul3A_19 = arith.muli %arg1, %mul3A_18 : i32
      %mul3A_20 = arith.constant 632 : i32
      %mul3A_21 = arith.muli %arg1, %mul3A_20 : i32
      "tpu.region"() ({
        %run_scoped3A_22 = tpu.sem_alloc : memref<!tpu.dma_semaphore, #tpu.memory_space<semaphore_mem>>
        %dma_start3A = arith.constant 0 : i32
        %dma_start3A_23 = tpu.memref_slice %arg5[%arg0, %mul3A_21, %dma_start3A] : memref<2x10000x128xf32, #tpu.memory_space<hbm>> -> memref<1x632x128xf32, #tpu.memory_space<hbm>>
        %dma_start3A_24 = tpu.memref_squeeze %dma_start3A_23 : memref<1x632x128xf32, #tpu.memory_space<hbm>> -> memref<632x128xf32, #tpu.memory_space<hbm>>
        %dma_start3A_25 = arith.constant 0 : i32
        %dma_start3A_26 = tpu.memref_slice %arg9[%mul3A_19, %dma_start3A_25] : memref<10112x128xf32, #tpu.memory_space<vmem_shared>> -> memref<632x128xf32, #tpu.memory_space<vmem_shared>>
        tpu.enqueue_dma source(%dma_start3A_26 : memref<632x128xf32, #tpu.memory_space<vmem_shared>>) target(%dma_start3A_24 : memref<632x128xf32, #tpu.memory_space<hbm>>) target_semaphore(%run_scoped3A_22 : memref<!tpu.dma_semaphore, #tpu.memory_space<semaphore_mem>>)
        %dma_wait3A = arith.constant 0 : i32
        %dma_wait3A_27 = tpu.memref_slice %arg5[%arg0, %mul3A_21, %dma_wait3A] : memref<2x10000x128xf32, #tpu.memory_space<hbm>> -> memref<1x632x128xf32, #tpu.memory_space<hbm>>
        %dma_wait3A_28 = tpu.memref_squeeze %dma_wait3A_27 : memref<1x632x128xf32, #tpu.memory_space<hbm>> -> memref<632x128xf32, #tpu.memory_space<hbm>>
        %dma_wait3A_29 = arith.constant 0 : i32
        %dma_wait3A_30 = tpu.memref_slice %arg9[%mul3A_19, %dma_wait3A_29] : memref<10112x128xf32, #tpu.memory_space<vmem_shared>> -> memref<632x128xf32, #tpu.memory_space<vmem_shared>>
        tpu.wait_dma2 semaphore(%run_scoped3A_22 : memref<!tpu.dma_semaphore, #tpu.memory_space<semaphore_mem>>) src(%dma_wait3A_30 : memref<632x128xf32, #tpu.memory_space<vmem_shared>>) dst(%dma_wait3A_28 : memref<632x128xf32, #tpu.memory_space<hbm>>)
        tpu.yield
      }) : () -> ()
    } else {
    }
    %eq3A = arith.constant 15 : i32
    %eq3A_14 = arith.cmpi eq, %arg1, %eq3A : i32
    %convert_element_type3A_15 = arith.extui %eq3A_14 : i1 to i32
    %cond3A_16 = arith.constant 0 : i32
    %cond3A_17 = arith.cmpi ne, %convert_element_type3A_15, %cond3A_16 : i32
    scf.if %cond3A_17 {
      "tpu.region"() ({
        %run_scoped3A_18 = tpu.sem_alloc : memref<!tpu.dma_semaphore, #tpu.memory_space<semaphore_mem>>
        %dma_start3A = arith.constant 9480 : i32
        %dma_start3A_19 = arith.constant 0 : i32
        %dma_start3A_20 = tpu.memref_slice %arg5[%arg0, %dma_start3A, %dma_start3A_19] : memref<2x10000x128xf32, #tpu.memory_space<hbm>> -> memref<1x520x128xf32, #tpu.memory_space<hbm>>
        %dma_start3A_21 = tpu.memref_squeeze %dma_start3A_20 : memref<1x520x128xf32, #tpu.memory_space<hbm>> -> memref<520x128xf32, #tpu.memory_space<hbm>>
        %dma_start3A_22 = arith.constant 9480 : i32
        %dma_start3A_23 = arith.constant 0 : i32
        %dma_start3A_24 = tpu.memref_slice %arg9[%dma_start3A_22, %dma_start3A_23] : memref<10112x128xf32, #tpu.memory_space<vmem_shared>> -> memref<520x128xf32, #tpu.memory_space<vmem_shared>>
        tpu.enqueue_dma source(%dma_start3A_24 : memref<520x128xf32, #tpu.memory_space<vmem_shared>>) target(%dma_start3A_21 : memref<520x128xf32, #tpu.memory_space<hbm>>) target_semaphore(%run_scoped3A_18 : memref<!tpu.dma_semaphore, #tpu.memory_space<semaphore_mem>>)
        %dma_wait3A = arith.constant 9480 : i32
        %dma_wait3A_25 = arith.constant 0 : i32
        %dma_wait3A_26 = tpu.memref_slice %arg5[%arg0, %dma_wait3A, %dma_wait3A_25] : memref<2x10000x128xf32, #tpu.memory_space<hbm>> -> memref<1x520x128xf32, #tpu.memory_space<hbm>>
        %dma_wait3A_27 = tpu.memref_squeeze %dma_wait3A_26 : memref<1x520x128xf32, #tpu.memory_space<hbm>> -> memref<520x128xf32, #tpu.memory_space<hbm>>
        %dma_wait3A_28 = arith.constant 9480 : i32
        %dma_wait3A_29 = arith.constant 0 : i32
        %dma_wait3A_30 = tpu.memref_slice %arg9[%dma_wait3A_28, %dma_wait3A_29] : memref<10112x128xf32, #tpu.memory_space<vmem_shared>> -> memref<520x128xf32, #tpu.memory_space<vmem_shared>>
        tpu.wait_dma2 semaphore(%run_scoped3A_18 : memref<!tpu.dma_semaphore, #tpu.memory_space<semaphore_mem>>) src(%dma_wait3A_30 : memref<520x128xf32, #tpu.memory_space<vmem_shared>>) dst(%dma_wait3A_27 : memref<520x128xf32, #tpu.memory_space<hbm>>)
        tpu.yield
      }) : () -> ()
    } else {
    }
    return
  }
}

#map = affine_map<(d0, d1) -> (0, 0)>
#map1 = affine_map<(d0, d1) -> (0, 0, 0, 0)>
#map2 = affine_map<(d0, d1) -> (0, 0, 0)>
module attributes {stable_mosaic.version = 14 : i64} {
  func.func @sc_scatter(%arg0: i32, %arg1: i32, %arg2: memref<10000x128xf32, #tpu.memory_space<hbm>>, %arg3: memref<32x2x79x128xi32, #tpu.memory_space<hbm>>, %arg4: memref<10112x128xf32, #tpu.memory_space<hbm>>, %arg5: memref<2x10000x128xf32, #tpu.memory_space<hbm>>, %arg6: memref<79x128xi32, #tpu.memory_space<vmem>>, %arg7: memref<79x128xi32, #tpu.memory_space<vmem>>, %arg8: memref<128x128xf32, #tpu.memory_space<vmem>>, %arg9: memref<10112x128xf32, #tpu.memory_space<vmem_shared>>, %arg10: memref<!tpu.dma_semaphore, #tpu.memory_space<semaphore_mem>>) attributes {dimension_semantics = [#tpu.dimension_semantics<core_parallel>, #tpu.dimension_semantics<subcore_parallel>], iteration_bounds = array<i64: 2, 16>, scalar_prefetch = 0 : i64, scratch_operands = 5 : i64, tpu.core_type = #tpu.core_type<sc_vector_subcore>, window_params = [{transform_indices = #map}, {transform_indices = #map1}, {transform_indices = #map}, {transform_indices = #map2}]} {
    %mul3A = arith.constant 2 : i32
    %mul3A_0 = arith.muli %arg1, %mul3A : i32
    %add3A = arith.addi %mul3A_0, %arg0 : i32
    %run_scoped3A = arith.constant 0 : i32
    "tpu.region"() ({
      %run_scoped3A_18 = tpu.sem_alloc : memref<!tpu.dma_semaphore, #tpu.memory_space<semaphore_mem>>
      %dma_start3A = arith.constant 0 : i32
      %dma_start3A_19 = arith.constant 0 : i32
      %dma_start3A_20 = tpu.memref_slice %arg3[%add3A, %run_scoped3A, %dma_start3A, %dma_start3A_19] : memref<32x2x79x128xi32, #tpu.memory_space<hbm>> -> memref<1x1x79x128xi32, #tpu.memory_space<hbm>>
      %dma_start3A_21 = tpu.memref_squeeze %dma_start3A_20 : memref<1x1x79x128xi32, #tpu.memory_space<hbm>> -> memref<79x128xi32, #tpu.memory_space<hbm>>
      %dma_start3A_22 = arith.constant 0 : i32
      %dma_start3A_23 = arith.constant 0 : i32
      %dma_start3A_24 = tpu.memref_slice %arg3[%add3A, %run_scoped3A, %dma_start3A_22, %dma_start3A_23] : memref<32x2x79x128xi32, #tpu.memory_space<hbm>> -> memref<1x1x79x128xi32, #tpu.memory_space<hbm>>
      %dma_start3A_25 = tpu.memref_squeeze %dma_start3A_24 : memref<1x1x79x128xi32, #tpu.memory_space<hbm>> -> memref<79x128xi32, #tpu.memory_space<hbm>>
      tpu.enqueue_dma source(%dma_start3A_25 : memref<79x128xi32, #tpu.memory_space<hbm>>) target(%arg6 : memref<79x128xi32, #tpu.memory_space<vmem>>) target_semaphore(%run_scoped3A_18 : memref<!tpu.dma_semaphore, #tpu.memory_space<semaphore_mem>>)
      %dma_wait3A = arith.constant 0 : i32
      %dma_wait3A_26 = arith.constant 0 : i32
      %dma_wait3A_27 = tpu.memref_slice %arg3[%add3A, %run_scoped3A, %dma_wait3A, %dma_wait3A_26] : memref<32x2x79x128xi32, #tpu.memory_space<hbm>> -> memref<1x1x79x128xi32, #tpu.memory_space<hbm>>
      %dma_wait3A_28 = tpu.memref_squeeze %dma_wait3A_27 : memref<1x1x79x128xi32, #tpu.memory_space<hbm>> -> memref<79x128xi32, #tpu.memory_space<hbm>>
      %dma_wait3A_29 = arith.constant 0 : i32
      %dma_wait3A_30 = arith.constant 0 : i32
      %dma_wait3A_31 = tpu.memref_slice %arg3[%add3A, %run_scoped3A, %dma_wait3A_29, %dma_wait3A_30] : memref<32x2x79x128xi32, #tpu.memory_space<hbm>> -> memref<1x1x79x128xi32, #tpu.memory_space<hbm>>
      %dma_wait3A_32 = tpu.memref_squeeze %dma_wait3A_31 : memref<1x1x79x128xi32, #tpu.memory_space<hbm>> -> memref<79x128xi32, #tpu.memory_space<hbm>>
      tpu.wait_dma2 semaphore(%run_scoped3A_18 : memref<!tpu.dma_semaphore, #tpu.memory_space<semaphore_mem>>) src(%dma_wait3A_32 : memref<79x128xi32, #tpu.memory_space<hbm>>) dst(%arg6 : memref<79x128xi32, #tpu.memory_space<vmem>>)
      tpu.yield
    }) : () -> ()
    %run_scoped3A_1 = arith.constant 1 : i32
    "tpu.region"() ({
      %run_scoped3A_18 = tpu.sem_alloc : memref<!tpu.dma_semaphore, #tpu.memory_space<semaphore_mem>>
      %dma_start3A = arith.constant 0 : i32
      %dma_start3A_19 = arith.constant 0 : i32
      %dma_start3A_20 = tpu.memref_slice %arg3[%add3A, %run_scoped3A_1, %dma_start3A, %dma_start3A_19] : memref<32x2x79x128xi32, #tpu.memory_space<hbm>> -> memref<1x1x79x128xi32, #tpu.memory_space<hbm>>
      %dma_start3A_21 = tpu.memref_squeeze %dma_start3A_20 : memref<1x1x79x128xi32, #tpu.memory_space<hbm>> -> memref<79x128xi32, #tpu.memory_space<hbm>>
      %dma_start3A_22 = arith.constant 0 : i32
      %dma_start3A_23 = arith.constant 0 : i32
      %dma_start3A_24 = tpu.memref_slice %arg3[%add3A, %run_scoped3A_1, %dma_start3A_22, %dma_start3A_23] : memref<32x2x79x128xi32, #tpu.memory_space<hbm>> -> memref<1x1x79x128xi32, #tpu.memory_space<hbm>>
      %dma_start3A_25 = tpu.memref_squeeze %dma_start3A_24 : memref<1x1x79x128xi32, #tpu.memory_space<hbm>> -> memref<79x128xi32, #tpu.memory_space<hbm>>
      tpu.enqueue_dma source(%dma_start3A_25 : memref<79x128xi32, #tpu.memory_space<hbm>>) target(%arg7 : memref<79x128xi32, #tpu.memory_space<vmem>>) target_semaphore(%run_scoped3A_18 : memref<!tpu.dma_semaphore, #tpu.memory_space<semaphore_mem>>)
      %dma_wait3A = arith.constant 0 : i32
      %dma_wait3A_26 = arith.constant 0 : i32
      %dma_wait3A_27 = tpu.memref_slice %arg3[%add3A, %run_scoped3A_1, %dma_wait3A, %dma_wait3A_26] : memref<32x2x79x128xi32, #tpu.memory_space<hbm>> -> memref<1x1x79x128xi32, #tpu.memory_space<hbm>>
      %dma_wait3A_28 = tpu.memref_squeeze %dma_wait3A_27 : memref<1x1x79x128xi32, #tpu.memory_space<hbm>> -> memref<79x128xi32, #tpu.memory_space<hbm>>
      %dma_wait3A_29 = arith.constant 0 : i32
      %dma_wait3A_30 = arith.constant 0 : i32
      %dma_wait3A_31 = tpu.memref_slice %arg3[%add3A, %run_scoped3A_1, %dma_wait3A_29, %dma_wait3A_30] : memref<32x2x79x128xi32, #tpu.memory_space<hbm>> -> memref<1x1x79x128xi32, #tpu.memory_space<hbm>>
      %dma_wait3A_32 = tpu.memref_squeeze %dma_wait3A_31 : memref<1x1x79x128xi32, #tpu.memory_space<hbm>> -> memref<79x128xi32, #tpu.memory_space<hbm>>
      tpu.wait_dma2 semaphore(%run_scoped3A_18 : memref<!tpu.dma_semaphore, #tpu.memory_space<semaphore_mem>>) src(%dma_wait3A_32 : memref<79x128xi32, #tpu.memory_space<hbm>>) dst(%arg7 : memref<79x128xi32, #tpu.memory_space<vmem>>)
      tpu.yield
    }) : () -> ()
    %mul3A_2 = arith.constant 632 : i32
    %mul3A_3 = arith.muli %arg1, %mul3A_2 : i32
    %mul3A_4 = arith.constant 632 : i32
    %mul3A_5 = arith.muli %arg1, %mul3A_4 : i32
    "tpu.region"() ({
      %run_scoped3A_18 = tpu.sem_alloc : memref<!tpu.dma_semaphore, #tpu.memory_space<semaphore_mem>>
      %dma_start3A = arith.constant 0 : i32
      %dma_start3A_19 = tpu.memref_slice %arg9[%mul3A_5, %dma_start3A] : memref<10112x128xf32, #tpu.memory_space<vmem_shared>> -> memref<632x128xf32, #tpu.memory_space<vmem_shared>>
      %dma_start3A_20 = arith.constant 0 : i32
      %dma_start3A_21 = tpu.memref_slice %arg4[%mul3A_3, %dma_start3A_20] : memref<10112x128xf32, #tpu.memory_space<hbm>> -> memref<632x128xf32, #tpu.memory_space<hbm>>
      tpu.enqueue_dma source(%dma_start3A_21 : memref<632x128xf32, #tpu.memory_space<hbm>>) target(%dma_start3A_19 : memref<632x128xf32, #tpu.memory_space<vmem_shared>>) target_semaphore(%run_scoped3A_18 : memref<!tpu.dma_semaphore, #tpu.memory_space<semaphore_mem>>)
      %dma_wait3A = arith.constant 0 : i32
      %dma_wait3A_22 = tpu.memref_slice %arg9[%mul3A_5, %dma_wait3A] : memref<10112x128xf32, #tpu.memory_space<vmem_shared>> -> memref<632x128xf32, #tpu.memory_space<vmem_shared>>
      %dma_wait3A_23 = arith.constant 0 : i32
      %dma_wait3A_24 = tpu.memref_slice %arg4[%mul3A_3, %dma_wait3A_23] : memref<10112x128xf32, #tpu.memory_space<hbm>> -> memref<632x128xf32, #tpu.memory_space<hbm>>
      tpu.wait_dma2 semaphore(%run_scoped3A_18 : memref<!tpu.dma_semaphore, #tpu.memory_space<semaphore_mem>>) src(%dma_wait3A_24 : memref<632x128xf32, #tpu.memory_space<hbm>>) dst(%dma_wait3A_22 : memref<632x128xf32, #tpu.memory_space<vmem_shared>>)
      tpu.yield
    }) : () -> ()
    %barrier3A = arith.constant 0 : index
    tpu.barrier barrier_id(%barrier3A)
    %scan3A = arith.constant 0 : i32
    %scan3A_6 = arith.constant 0 : i32
    %scan3A_7 = arith.constant 79 : i32
    %scan3A_8 = arith.addi %scan3A_6, %scan3A_7 : i32
    %scan3A_9 = arith.constant 1 : i32
    scf.for %scan3A_18 = %scan3A_6 to %scan3A_8 step %scan3A_9  : i32 {
      %dma_start3A = arith.constant 0 : i32
      %dma_start3A_19 = tpu.memref_slice %arg6[%scan3A_18, %dma_start3A] : memref<79x128xi32, #tpu.memory_space<vmem>> -> memref<1x128xi32, #tpu.memory_space<vmem>>
      %dma_start3A_20 = tpu.memref_squeeze %dma_start3A_19 : memref<1x128xi32, #tpu.memory_space<vmem>> -> memref<128xi32, #tpu.memory_space<vmem>>
      %dma_start3A_21 = arith.constant 0 : i32
      %dma_start3A_22 = arith.constant 0 : i32
      %dma_start3A_23 = tpu.memref_slice %arg2[%dma_start3A_21, %dma_start3A_22] : memref<10000x128xf32, #tpu.memory_space<hbm>> -> memref<10000x128xf32, #tpu.memory_space<hbm>>
      tpu.enqueue_indirect_dma source(%dma_start3A_23 : memref<10000x128xf32, #tpu.memory_space<hbm>>) target(%arg8 : memref<128x128xf32, #tpu.memory_space<vmem>>) offsets(%dma_start3A_20 : memref<128xi32, #tpu.memory_space<vmem>>) semaphore(%arg10 : memref<!tpu.dma_semaphore, #tpu.memory_space<semaphore_mem>>)
      %dma_wait3A = arith.constant 0 : i32
      %dma_wait3A_24 = tpu.memref_slice %arg6[%scan3A_18, %dma_wait3A] : memref<79x128xi32, #tpu.memory_space<vmem>> -> memref<1x128xi32, #tpu.memory_space<vmem>>
      %dma_wait3A_25 = tpu.memref_squeeze %dma_wait3A_24 : memref<1x128xi32, #tpu.memory_space<vmem>> -> memref<128xi32, #tpu.memory_space<vmem>>
      %dma_wait3A_26 = arith.constant 0 : i32
      %dma_wait3A_27 = arith.constant 0 : i32
      %dma_wait3A_28 = tpu.memref_slice %arg2[%dma_wait3A_26, %dma_wait3A_27] : memref<10000x128xf32, #tpu.memory_space<hbm>> -> memref<10000x128xf32, #tpu.memory_space<hbm>>
      tpu.wait_indirect_dma semaphore(%arg10 : memref<!tpu.dma_semaphore, #tpu.memory_space<semaphore_mem>>) src(%dma_wait3A_28 : memref<10000x128xf32, #tpu.memory_space<hbm>>) dst(%arg8 : memref<128x128xf32, #tpu.memory_space<vmem>>)
      "tpu.region"() ({
        %run_scoped3A_29 = tpu.sem_alloc : memref<!tpu.dma_semaphore, #tpu.memory_space<semaphore_mem>>
        %dma_start3A_30 = arith.constant 0 : i32
        %dma_start3A_31 = tpu.memref_slice %arg7[%scan3A_18, %dma_start3A_30] : memref<79x128xi32, #tpu.memory_space<vmem>> -> memref<1x128xi32, #tpu.memory_space<vmem>>
        %dma_start3A_32 = tpu.memref_squeeze %dma_start3A_31 : memref<1x128xi32, #tpu.memory_space<vmem>> -> memref<128xi32, #tpu.memory_space<vmem>>
        %dma_start3A_33 = arith.constant 0 : i32
        %dma_start3A_34 = arith.constant 0 : i32
        %dma_start3A_35 = tpu.memref_slice %arg9[%dma_start3A_33, %dma_start3A_34] : memref<10112x128xf32, #tpu.memory_space<vmem_shared>> -> memref<10112x128xf32, #tpu.memory_space<vmem_shared>>
        tpu.enqueue_indirect_dma source(%arg8 : memref<128x128xf32, #tpu.memory_space<vmem>>) target(%dma_start3A_35 : memref<10112x128xf32, #tpu.memory_space<vmem_shared>>) offsets(%dma_start3A_32 : memref<128xi32, #tpu.memory_space<vmem>>) semaphore(%run_scoped3A_29 : memref<!tpu.dma_semaphore, #tpu.memory_space<semaphore_mem>>) {add = true}
        %dma_wait3A_36 = arith.constant 0 : i32
        %dma_wait3A_37 = tpu.memref_slice %arg7[%scan3A_18, %dma_wait3A_36] : memref<79x128xi32, #tpu.memory_space<vmem>> -> memref<1x128xi32, #tpu.memory_space<vmem>>
        %dma_wait3A_38 = tpu.memref_squeeze %dma_wait3A_37 : memref<1x128xi32, #tpu.memory_space<vmem>> -> memref<128xi32, #tpu.memory_space<vmem>>
        %dma_wait3A_39 = arith.constant 0 : i32
        %dma_wait3A_40 = arith.constant 0 : i32
        %dma_wait3A_41 = tpu.memref_slice %arg9[%dma_wait3A_39, %dma_wait3A_40] : memref<10112x128xf32, #tpu.memory_space<vmem_shared>> -> memref<10112x128xf32, #tpu.memory_space<vmem_shared>>
        tpu.wait_indirect_dma semaphore(%run_scoped3A_29 : memref<!tpu.dma_semaphore, #tpu.memory_space<semaphore_mem>>) src(%arg8 : memref<128x128xf32, #tpu.memory_space<vmem>>) dst(%dma_wait3A_41 : memref<10112x128xf32, #tpu.memory_space<vmem_shared>>)
        tpu.yield
      }) : () -> ()
    }
    %scan3A_10 = arith.constant 79 : i32
    %barrier3A_11 = arith.constant 0 : index
    tpu.barrier barrier_id(%barrier3A_11)
    %lt3A = arith.constant 15 : i32
    %lt3A_12 = arith.cmpi slt, %arg1, %lt3A : i32
    %convert_element_type3A = arith.extui %lt3A_12 : i1 to i32
    %cond3A = arith.constant 0 : i32
    %cond3A_13 = arith.cmpi ne, %convert_element_type3A, %cond3A : i32
    scf.if %cond3A_13 {
      %mul3A_18 = arith.constant 632 : i32
      %mul3A_19 = arith.muli %arg1, %mul3A_18 : i32
      %mul3A_20 = arith.constant 632 : i32
      %mul3A_21 = arith.muli %arg1, %mul3A_20 : i32
      "tpu.region"() ({
        %run_scoped3A_22 = tpu.sem_alloc : memref<!tpu.dma_semaphore, #tpu.memory_space<semaphore_mem>>
        %dma_start3A = arith.constant 0 : i32
        %dma_start3A_23 = tpu.memref_slice %arg5[%arg0, %mul3A_21, %dma_start3A] : memref<2x10000x128xf32, #tpu.memory_space<hbm>> -> memref<1x632x128xf32, #tpu.memory_space<hbm>>
        %dma_start3A_24 = tpu.memref_squeeze %dma_start3A_23 : memref<1x632x128xf32, #tpu.memory_space<hbm>> -> memref<632x128xf32, #tpu.memory_space<hbm>>
        %dma_start3A_25 = arith.constant 0 : i32
        %dma_start3A_26 = tpu.memref_slice %arg9[%mul3A_19, %dma_start3A_25] : memref<10112x128xf32, #tpu.memory_space<vmem_shared>> -> memref<632x128xf32, #tpu.memory_space<vmem_shared>>
        tpu.enqueue_dma source(%dma_start3A_26 : memref<632x128xf32, #tpu.memory_space<vmem_shared>>) target(%dma_start3A_24 : memref<632x128xf32, #tpu.memory_space<hbm>>) target_semaphore(%run_scoped3A_22 : memref<!tpu.dma_semaphore, #tpu.memory_space<semaphore_mem>>)
        %dma_wait3A = arith.constant 0 : i32
        %dma_wait3A_27 = tpu.memref_slice %arg5[%arg0, %mul3A_21, %dma_wait3A] : memref<2x10000x128xf32, #tpu.memory_space<hbm>> -> memref<1x632x128xf32, #tpu.memory_space<hbm>>
        %dma_wait3A_28 = tpu.memref_squeeze %dma_wait3A_27 : memref<1x632x128xf32, #tpu.memory_space<hbm>> -> memref<632x128xf32, #tpu.memory_space<hbm>>
        %dma_wait3A_29 = arith.constant 0 : i32
        %dma_wait3A_30 = tpu.memref_slice %arg9[%mul3A_19, %dma_wait3A_29] : memref<10112x128xf32, #tpu.memory_space<vmem_shared>> -> memref<632x128xf32, #tpu.memory_space<vmem_shared>>
        tpu.wait_dma2 semaphore(%run_scoped3A_22 : memref<!tpu.dma_semaphore, #tpu.memory_space<semaphore_mem>>) src(%dma_wait3A_30 : memref<632x128xf32, #tpu.memory_space<vmem_shared>>) dst(%dma_wait3A_28 : memref<632x128xf32, #tpu.memory_space<hbm>>)
        tpu.yield
      }) : () -> ()
    } else {
    }
    %eq3A = arith.constant 15 : i32
    %eq3A_14 = arith.cmpi eq, %arg1, %eq3A : i32
    %convert_element_type3A_15 = arith.extui %eq3A_14 : i1 to i32
    %cond3A_16 = arith.constant 0 : i32
    %cond3A_17 = arith.cmpi ne, %convert_element_type3A_15, %cond3A_16 : i32
    scf.if %cond3A_17 {
      "tpu.region"() ({
        %run_scoped3A_18 = tpu.sem_alloc : memref<!tpu.dma_semaphore, #tpu.memory_space<semaphore_mem>>
        %dma_start3A = arith.constant 9480 : i32
        %dma_start3A_19 = arith.constant 0 : i32
        %dma_start3A_20 = tpu.memref_slice %arg5[%arg0, %dma_start3A, %dma_start3A_19] : memref<2x10000x128xf32, #tpu.memory_space<hbm>> -> memref<1x520x128xf32, #tpu.memory_space<hbm>>
        %dma_start3A_21 = tpu.memref_squeeze %dma_start3A_20 : memref<1x520x128xf32, #tpu.memory_space<hbm>> -> memref<520x128xf32, #tpu.memory_space<hbm>>
        %dma_start3A_22 = arith.constant 9480 : i32
        %dma_start3A_23 = arith.constant 0 : i32
        %dma_start3A_24 = tpu.memref_slice %arg9[%dma_start3A_22, %dma_start3A_23] : memref<10112x128xf32, #tpu.memory_space<vmem_shared>> -> memref<520x128xf32, #tpu.memory_space<vmem_shared>>
        tpu.enqueue_dma source(%dma_start3A_24 : memref<520x128xf32, #tpu.memory_space<vmem_shared>>) target(%dma_start3A_21 : memref<520x128xf32, #tpu.memory_space<hbm>>) target_semaphore(%run_scoped3A_18 : memref<!tpu.dma_semaphore, #tpu.memory_space<semaphore_mem>>)
        %dma_wait3A = arith.constant 9480 : i32
        %dma_wait3A_25 = arith.constant 0 : i32
        %dma_wait3A_26 = tpu.memref_slice %arg5[%arg0, %dma_wait3A, %dma_wait3A_25] : memref<2x10000x128xf32, #tpu.memory_space<hbm>> -> memref<1x520x128xf32, #tpu.memory_space<hbm>>
        %dma_wait3A_27 = tpu.memref_squeeze %dma_wait3A_26 : memref<1x520x128xf32, #tpu.memory_space<hbm>> -> memref<520x128xf32, #tpu.memory_space<hbm>>
        %dma_wait3A_28 = arith.constant 9480 : i32
        %dma_wait3A_29 = arith.constant 0 : i32
        %dma_wait3A_30 = tpu.memref_slice %arg9[%dma_wait3A_28, %dma_wait3A_29] : memref<10112x128xf32, #tpu.memory_space<vmem_shared>> -> memref<520x128xf32, #tpu.memory_space<vmem_shared>>
        tpu.wait_dma2 semaphore(%run_scoped3A_18 : memref<!tpu.dma_semaphore, #tpu.memory_space<semaphore_mem>>) src(%dma_wait3A_30 : memref<520x128xf32, #tpu.memory_space<vmem_shared>>) dst(%dma_wait3A_27 : memref<520x128xf32, #tpu.memory_space<hbm>>)
        tpu.yield
      }) : () -> ()
    } else {
    }
    return
  }
}

module attributes {stable_mosaic.version = 14 : i64} {
  func.func @_matmul_body(%arg0: i32, %arg1: memref<2000x128xf32, #tpu.memory_space<vmem>>, %arg2: memref<128x128xf32, #tpu.memory_space<vmem>>, %arg3: memref<2000x128xf32, #tpu.memory_space<vmem>>) attributes {dimension_semantics = [#tpu.dimension_semantics<arbitrary>], iteration_bounds = array<i64: 5>, scalar_prefetch = 0 : i64, scratch_operands = 0 : i64, tpu.core_type = #tpu.core_type<tc>, window_params = [{transform_indices = @transform_0, window_bounds = array<i64: 2000, 128>}, {pipeline_mode = #tpu.pipeline_mode<synchronous>, transform_indices = @transform_1, window_bounds = array<i64: 128, 128>}, {transform_indices = @transform_2, window_bounds = array<i64: 2000, 128>}]} {
    %get3A = arith.constant 0 : index
    %get3A_0 = arith.constant 0 : index
    %get3A_1 = vector.load %arg1[%get3A, %get3A_0] : memref<2000x128xf32, #tpu.memory_space<vmem>>, vector<2000x128xf32>
    %get3A_2 = arith.constant 0 : index
    %get3A_3 = arith.constant 0 : index
    %get3A_4 = vector.load %arg2[%get3A_2, %get3A_3] : memref<128x128xf32, #tpu.memory_space<vmem>>, vector<128x128xf32>
    %dot_general3A = arith.constant dense<0.000000e+00> : vector<2000x128xf32>
    %dot_general3A_5 = tpu.matmul %get3A_1, %get3A_4, %dot_general3A {dimension_numbers = #tpu.dot_dimension_numbers<[1], [0], [0], [1], [0, 0, 1, 1], [], []>, transpose_lhs_hint = false} : vector<2000x128xf32>, vector<128x128xf32>, vector<2000x128xf32> -> vector<2000x128xf32>
    %swap3A = arith.constant 0 : index
    %swap3A_6 = arith.constant 0 : index
    %swap3A_7 = vector.load %arg3[%swap3A, %swap3A_6] : memref<2000x128xf32, #tpu.memory_space<vmem>>, vector<2000x128xf32>
    tpu.vector_store %arg3[%swap3A, %swap3A_6], %dot_general3A_5 {strides = array<i32>} : memref<2000x128xf32, #tpu.memory_space<vmem>>, vector<2000x128xf32>,
    return
  }
  func.func @transform_0(%arg0: i32) -> (i32, i32) {
    %c0_i32 = arith.constant 0 : i32
    %c0_i32_0 = arith.constant 0 : i32
    return %arg0, %c0_i32 : i32, i32
  }
  func.func @transform_1(%arg0: i32) -> (i32, i32) {
    %c0_i32 = arith.constant 0 : i32
    %c0_i32_0 = arith.constant 0 : i32
    %c0_i32_1 = arith.constant 0 : i32
    return %c0_i32, %c0_i32_0 : i32, i32
  }
  func.func @transform_2(%arg0: i32) -> (i32, i32) {
    %c0_i32 = arith.constant 0 : i32
    %c0_i32_0 = arith.constant 0 : i32
    return %arg0, %c0_i32 : i32, i32
  }
}

module attributes {stable_mosaic.version = 14 : i64} {
  func.func @_combine_matmul_body(%arg0: i32, %arg1: memref<2x2000x128xf32, #tpu.memory_space<vmem>>, %arg2: memref<1x128xf32, #tpu.memory_space<vmem>>, %arg3: memref<128x128xf32, #tpu.memory_space<vmem>>, %arg4: memref<2000x128xf32, #tpu.memory_space<vmem>>) attributes {dimension_semantics = [#tpu.dimension_semantics<arbitrary>], iteration_bounds = array<i64: 5>, scalar_prefetch = 0 : i64, scratch_operands = 0 : i64, tpu.core_type = #tpu.core_type<tc>, window_params = [{transform_indices = @transform_0, window_bounds = array<i64: 2, 2000, 128>}, {pipeline_mode = #tpu.pipeline_mode<synchronous>, transform_indices = @transform_1, window_bounds = array<i64: 1, 128>}, {pipeline_mode = #tpu.pipeline_mode<synchronous>, transform_indices = @transform_2, window_bounds = array<i64: 128, 128>}, {transform_indices = @transform_3, window_bounds = array<i64: 2000, 128>}]} {
    %get3A = arith.constant 0 : index
    %get3A_0 = arith.constant 0 : index
    %get3A_1 = arith.constant 0 : index
    %get3A_2 = vector.load %arg1[%get3A, %get3A_0, %get3A_1] : memref<2x2000x128xf32, #tpu.memory_space<vmem>>, vector<1x2000x128xf32>
    %get3A_3 = vector.shape_cast %get3A_2 : vector<1x2000x128xf32> to vector<2000x128xf32>
    %get3A_4 = arith.constant 1 : index
    %get3A_5 = arith.constant 0 : index
    %get3A_6 = arith.constant 0 : index
    %get3A_7 = vector.load %arg1[%get3A_4, %get3A_5, %get3A_6] : memref<2x2000x128xf32, #tpu.memory_space<vmem>>, vector<1x2000x128xf32>
    %get3A_8 = vector.shape_cast %get3A_7 : vector<1x2000x128xf32> to vector<2000x128xf32>
    %add3A = arith.addf %get3A_3, %get3A_8 : vector<2000x128xf32>
    %get3A_9 = arith.constant 0 : index
    %get3A_10 = arith.constant 0 : index
    %get3A_11 = vector.load %arg2[%get3A_9, %get3A_10] : memref<1x128xf32, #tpu.memory_space<vmem>>, vector<1x128xf32>
    %add3A_12 = vector.broadcast %get3A_11 : vector<1x128xf32> to vector<2000x128xf32>
    %add3A_13 = arith.addf %add3A, %add3A_12 : vector<2000x128xf32>
    %max3A = arith.constant 0.000000e+00 : f32
    %max3A_14 = vector.broadcast %max3A : f32 to vector<2000x128xf32>
    %max3A_15 = arith.maximumf %add3A_13, %max3A_14 : vector<2000x128xf32>
    %get3A_16 = arith.constant 0 : index
    %get3A_17 = arith.constant 0 : index
    %get3A_18 = vector.load %arg3[%get3A_16, %get3A_17] : memref<128x128xf32, #tpu.memory_space<vmem>>, vector<128x128xf32>
    %dot_general3A = arith.constant dense<0.000000e+00> : vector<2000x128xf32>
    %dot_general3A_19 = tpu.matmul %max3A_15, %get3A_18, %dot_general3A {dimension_numbers = #tpu.dot_dimension_numbers<[1], [0], [0], [1], [0, 0, 1, 1], [], []>, transpose_lhs_hint = false} : vector<2000x128xf32>, vector<128x128xf32>, vector<2000x128xf32> -> vector<2000x128xf32>
    %swap3A = arith.constant 0 : index
    %swap3A_20 = arith.constant 0 : index
    %swap3A_21 = vector.load %arg4[%swap3A, %swap3A_20] : memref<2000x128xf32, #tpu.memory_space<vmem>>, vector<2000x128xf32>
    tpu.vector_store %arg4[%swap3A, %swap3A_20], %dot_general3A_19 {strides = array<i32>} : memref<2000x128xf32, #tpu.memory_space<vmem>>, vector<2000x128xf32>,
    return
  }
  func.func @transform_0(%arg0: i32) -> (i32, i32, i32) {
    %c0_i32 = arith.constant 0 : i32
    %c0_i32_0 = arith.constant 0 : i32
    %c0_i32_1 = arith.constant 0 : i32
    return %c0_i32, %arg0, %c0_i32_0 : i32, i32, i32
  }
  func.func @transform_1(%arg0: i32) -> (i32, i32) {
    %c0_i32 = arith.constant 0 : i32
    %c0_i32_0 = arith.constant 0 : i32
    %c0_i32_1 = arith.constant 0 : i32
    return %c0_i32, %c0_i32_0 : i32, i32
  }
  func.func @transform_2(%arg0: i32) -> (i32, i32) {
    %c0_i32 = arith.constant 0 : i32
    %c0_i32_0 = arith.constant 0 : i32
    %c0_i32_1 = arith.constant 0 : i32
    return %c0_i32, %c0_i32_0 : i32, i32
  }
  func.func @transform_3(%arg0: i32) -> (i32, i32) {
    %c0_i32 = arith.constant 0 : i32
    %c0_i32_0 = arith.constant 0 : i32
    return %arg0, %c0_i32 : i32, i32
  }
}

module attributes {stable_mosaic.version = 14 : i64} {
  func.func @_combine_body(%arg0: i32, %arg1: memref<2x2000x128xf32, #tpu.memory_space<vmem>>, %arg2: memref<1x128xf32, #tpu.memory_space<vmem>>, %arg3: memref<2000x128xf32, #tpu.memory_space<vmem>>) attributes {dimension_semantics = [#tpu.dimension_semantics<arbitrary>], iteration_bounds = array<i64: 5>, scalar_prefetch = 0 : i64, scratch_operands = 0 : i64, tpu.core_type = #tpu.core_type<tc>, window_params = [{transform_indices = @transform_0, window_bounds = array<i64: 2, 2000, 128>}, {pipeline_mode = #tpu.pipeline_mode<synchronous>, transform_indices = @transform_1, window_bounds = array<i64: 1, 128>}, {transform_indices = @transform_2, window_bounds = array<i64: 2000, 128>}]} {
    %get3A = arith.constant 0 : index
    %get3A_0 = arith.constant 0 : index
    %get3A_1 = arith.constant 0 : index
    %get3A_2 = vector.load %arg1[%get3A, %get3A_0, %get3A_1] : memref<2x2000x128xf32, #tpu.memory_space<vmem>>, vector<1x2000x128xf32>
    %get3A_3 = vector.shape_cast %get3A_2 : vector<1x2000x128xf32> to vector<2000x128xf32>
    %get3A_4 = arith.constant 1 : index
    %get3A_5 = arith.constant 0 : index
    %get3A_6 = arith.constant 0 : index
    %get3A_7 = vector.load %arg1[%get3A_4, %get3A_5, %get3A_6] : memref<2x2000x128xf32, #tpu.memory_space<vmem>>, vector<1x2000x128xf32>
    %get3A_8 = vector.shape_cast %get3A_7 : vector<1x2000x128xf32> to vector<2000x128xf32>
    %add3A = arith.addf %get3A_3, %get3A_8 : vector<2000x128xf32>
    %get3A_9 = arith.constant 0 : index
    %get3A_10 = arith.constant 0 : index
    %get3A_11 = vector.load %arg2[%get3A_9, %get3A_10] : memref<1x128xf32, #tpu.memory_space<vmem>>, vector<1x128xf32>
    %add3A_12 = vector.broadcast %get3A_11 : vector<1x128xf32> to vector<2000x128xf32>
    %add3A_13 = arith.addf %add3A, %add3A_12 : vector<2000x128xf32>
    %max3A = arith.constant 0.000000e+00 : f32
    %max3A_14 = vector.broadcast %max3A : f32 to vector<2000x128xf32>
    %max3A_15 = arith.maximumf %add3A_13, %max3A_14 : vector<2000x128xf32>
    %swap3A = arith.constant 0 : index
    %swap3A_16 = arith.constant 0 : index
    %swap3A_17 = vector.load %arg3[%swap3A, %swap3A_16] : memref<2000x128xf32, #tpu.memory_space<vmem>>, vector<2000x128xf32>
    tpu.vector_store %arg3[%swap3A, %swap3A_16], %max3A_15 {strides = array<i32>} : memref<2000x128xf32, #tpu.memory_space<vmem>>, vector<2000x128xf32>,
    return
  }
  func.func @transform_0(%arg0: i32) -> (i32, i32, i32) {
    %c0_i32 = arith.constant 0 : i32
    %c0_i32_0 = arith.constant 0 : i32
    %c0_i32_1 = arith.constant 0 : i32
    return %c0_i32, %arg0, %c0_i32_0 : i32, i32, i32
  }
  func.func @transform_1(%arg0: i32) -> (i32, i32) {
    %c0_i32 = arith.constant 0 : i32
    %c0_i32_0 = arith.constant 0 : i32
    %c0_i32_1 = arith.constant 0 : i32
    return %c0_i32, %c0_i32_0 : i32, i32
  }
  func.func @transform_2(%arg0: i32) -> (i32, i32) {
    %c0_i32 = arith.constant 0 : i32
    %c0_i32_0 = arith.constant 0 : i32
    return %arg0, %c0_i32 : i32, i32
  }
}

</mosaic_0001>

<sc_bundles>
// kernel: kernel.12.cloned.1.call-start
scs
__scs_entry_jumppad:
0x0: {  	(pc) =	sbr.rel $0x88, $3  }
0x1: {  	(tag) =	ssettag $0x0;
	lr =	simm.s32 $0x1  }
0x2: {  	[smem:$0x3F99] =	sst lr;
	_ =	strace $0xD0000000  }
0x3: {  	_ = 	snop  }
0x4: {  	_ = 	snop  }
0x5: {  	_ = 	snop  }
0x6: {  	_ = 	snop  }
0x7: {  	_ = 	snop  }
__scs_overlays_trampoline_lowered:
0x8: {  	[smem:$0x3FA8] =	sst s0  }
0x9: {  	[smem:$0x3FA9] =	sst s1  }
0xa: {  	[smem:$0x3FAA] =	sst s2  }
0xb: {  	[smem:$0x3FAB] =	sst s3  }
0xc: {  	[smem:$0x3FAC] =	sst s4  }
0xd: {  	[smem:$0x3FAD] =	sst s5  }
0xe: {  	[smem:$0x3FAE] =	sst s6  }
0xf: {  	[smem:$0x3FAF] =	sst s7  }
0x10: {  	[smem:$0x3FB0] =	sst s8  }
0x11: {  	[smem:$0x3FB1] =	sst s9;
	s0 =	simm.s32 @!p0 $0x0  }
0x12: {  	s1 =	sld [smem:$0x3F97];
	s0 =	simm.s32 @p0 $0x1  }
0x13: {  	[smem:$0x3FB2] =	sst s0;
	s0 =	simm.s32 @!p1 $0x0  }
0x14: {  	s2 =	sld [smem:$0x3F96];
	s0 =	simm.s32 @p1 $0x1  }
0x15: {  	[smem:$0x3FB3] =	sst s0;
	s0 =	simm.s32 @!p2 $0x0  }
0x16: {  	s3 =	sld [smem:$0x3FDB];
	s0 =	simm.s32 @p2 $0x1  }
0x17: {  	s4 =	simm.s32 $0x1BF5;
	[smem:$0x3FB5] =	sst s0  }
0x18: {  	s0 =	sld [smem:$0x3F98];
	_ =	swait.ge [sflag:s4], $0x0  }
0x19: {  	s7 =	sld [smem:$0x3F99]  }
0x1a: {  	s8 =	sadd.s32 $0xFFFFE003, lr  }
0x1b: {  	s9 =	sadd.s32 $0xFFFFFEF7, lr;
	s5 =	simm.s32 $0xFFFFFFFF;
	p2 =	slt.u32 s8, $0xFFFFF086  }
0x1c: {  	p1 =	slt.u32 s9, $0xF7A;
	s5 =	simm.s32 @!p2 $0x0  }
0x1d: {  	s5 =	simm.s32 @p1 $0x1;
	p0 =	seq.s32 s7, s2  }
0x1e: {  	s7 =	smul.u32 @!p0 $0xF7A, s2;
	p2 =	seq.s32 @!p0 s5, $0x0  }
0x1f: {  	s9 =	smul.u32 $0xF7A, s1;
	s8 =	simm.s32 @!p0 $0x1BF5;
	p2 =	por !p2, p0  }
0x20: {  	[sflag:s8] =	ssyncset.s32 @!p0 $0xFFFFF086;
	s6 =	sadd.s32 @!p0 s3, s7;
	s7 =	simm.s32 @!p0 $0x108  }
0x21: {  	s3 =	sadd.s32 s3, s9;
	s6 =	sadd.s32 @!p0 $0x88, s6;
	s7 =	simm.s32 @p2 $0x1082  }
0x22: {  	[simem:s7], [sflag:s8] =	dma.local @!p0 [hbm:s6], $0xF7A  }
0x23: {  	s9 =	sor.u32 $0xD0000000, s2;
	s6 =	simm.s32 $0x108;
	_ =	swait.ge @!p0 [sflag:s8], $0x0  }
0x24: {  	s3 =	sadd.s32 $0x88, s3;
	s6 =	simm.s32 @!p1 $0x1082;
	[sflag:s4] =	ssyncset.s32 $0xFFFFF086  }
0x25: {  	[simem:s6], [sflag:s4] =	dma.local [hbm:s3], $0xF7A  }
0x26: {  	[smem:$0x3F99] =	sst s1;
	(tag) =	ssettag s2;
	_ =	strace s9  }
0x27: {  	s1 =	sld [smem:$0x3FA9]  }
0x28: {  	s2 =	sld [smem:$0x3FAA]  }
0x29: {  	s4 =	sld [smem:$0x3FAC]  }
0x2a: {  	p0 =	seq.s32 s5, $0x0;
	s5 =	sld [smem:$0x3FAD]  }
0x2b: {  	s6 =	sld [smem:$0x3FAE]  }
0x2c: {  	s7 =	sld [smem:$0x3FAF]  }
0x2d: {  	s3 =	simm.s32 $0x108;
	s8 =	sld [smem:$0x3FB0]  }
0x2e: {  	s3 =	simm.s32 @!p0 $0x1082;
	s9 =	sld [smem:$0x3FB1]  }
0x2f: {  	lr =	sadd.s32 s0, s3;
	s0 =	sld [smem:$0x3FA8]  }
0x30: {  	s3 =	sld [smem:$0x3FAB]  }
0x31: {  	[smem:$0x3FB4] =	sst s10  }
0x32: {  	s10 =	sld [smem:$0x3FB2];
	_ =	sdelay $0x3  }
0x33: {  	p0 =	seq.s32 s10, $0x1;
	s10 =	sld [smem:$0x3FB4];
	_ =	sdelay $0x3  }
0x34: {  	[smem:$0x3FB4] =	sst s10  }
0x35: {  	s10 =	sld [smem:$0x3FB3];
	_ =	sdelay $0x3  }
0x36: {  	p1 =	seq.s32 s10, $0x1;
	s10 =	sld [smem:$0x3FB4];
	_ =	sdelay $0x3  }
0x37: {  	[smem:$0x3FB4] =	sst s10  }
0x38: {  	s10 =	sld [smem:$0x3FB5]  }
0x39: {  	_ = 	snop;
	(pc) =	sbr.ind lr, $3  }
0x3a: {  	_ = 	snop  }
0x3b: {  	_ = 	snop  }
0x3c: {  	p2 =	seq.s32 s10, $0x1;
	s10 =	sld [smem:$0x3FB4]  }
0x3d: {  	_ =	shalt  }
0x3e: {  	_ =	shalt  }
0x3f: {  	_ =	shalt  }
0x40: {  	_ =	shalt  }
0x41: {  	_ =	shalt  }
0x42: {  	_ =	shalt  }
0x43: {  	_ =	shalt  }
0x44: {  	_ =	shalt  }
0x45: {  	_ =	shalt  }
0x46: {  	_ =	shalt  }
0x47: {  	_ =	shalt  }
0x48: {  	_ =	shalt  }
0x49: {  	_ =	shalt  }
0x4a: {  	_ =	shalt  }
0x4b: {  	_ =	shalt  }
0x4c: {  	_ =	shalt  }
0x4d: {  	_ =	shalt  }
0x4e: {  	_ =	shalt  }
0x4f: {  	_ =	shalt  }
0x50: {  	_ =	shalt  }
0x51: {  	_ =	shalt  }
0x52: {  	_ =	shalt  }
0x53: {  	_ =	shalt  }
0x54: {  	_ =	shalt  }
0x55: {  	_ =	shalt  }
0x56: {  	_ =	shalt  }
0x57: {  	_ =	shalt  }
0x58: {  	_ =	shalt  }
0x59: {  	_ =	shalt  }
0x5a: {  	_ =	shalt  }
0x5b: {  	_ =	shalt  }
0x5c: {  	_ =	shalt  }
0x5d: {  	_ =	shalt  }
0x5e: {  	_ =	shalt  }
0x5f: {  	_ =	shalt  }
0x60: {  	_ =	shalt  }
0x61: {  	_ =	shalt  }
0x62: {  	_ =	shalt  }
0x63: {  	_ =	shalt  }
0x64: {  	_ =	shalt  }
0x65: {  	_ =	shalt  }
0x66: {  	_ =	shalt  }
0x67: {  	_ =	shalt  }
0x68: {  	_ =	shalt  }
0x69: {  	_ =	shalt  }
0x6a: {  	_ =	shalt  }
0x6b: {  	_ =	shalt  }
0x6c: {  	_ =	shalt  }
0x6d: {  	_ =	shalt  }
0x6e: {  	_ =	shalt  }
0x6f: {  	_ =	shalt  }
0x70: {  	_ =	shalt  }
0x71: {  	_ =	shalt  }
0x72: {  	_ =	shalt  }
0x73: {  	_ =	shalt  }
0x74: {  	_ =	shalt  }
0x75: {  	_ =	shalt  }
0x76: {  	_ =	shalt  }
0x77: {  	_ =	shalt  }
0x78: {  	_ =	shalt  }
0x79: {  	_ =	shalt  }
0x7a: {  	_ =	shalt  }
0x7b: {  	_ =	shalt  }
0x7c: {  	_ =	shalt  }
0x7d: {  	_ =	shalt  }
0x7e: {  	_ =	shalt  }
0x7f: {  	_ =	shalt  }
0x80: {  	_ =	shalt  }
0x81: {  	_ =	shalt  }
0x82: {  	_ =	shalt  }
0x83: {  	_ =	shalt  }
0x84: {  	_ =	shalt  }
0x85: {  	_ =	shalt  }
0x86: {  	_ =	shalt  }
0x87: {  	_ =	shalt  }
.Lfunc_end0:
.L_simem_size_0:
called_computation.1_lowered:
.L_overlay_start_0:
0x88: {  	s2 =	sld [smem:$0x3FD9]  }
0x89: {  	s3 =	sld [smem:$0x3FFE];
	_ =	sdelay $0x1  }
0x8a: {  	s1 =	srdreg.scid  }
0x8b: {  	s0 =	sand.u32 $0x1, s1  }
0x8c: {  	s17 =	sshll.u32 s0, $0xA;
	s2 =	sadd.s32 s3, s2  }
0x8d: {  	s2 =	sadd.s32 s2, s17  }
0x8e: {  	[smem:$0x3FC0] =	sst s2  }
0x8f: {  	_ = 	snop  }
0x90: {  	s2 =	sld [smem:$0x3FD0];
	(tm) =	ssettm $0x1  }
0x91: {  	s18 =	sld [smem:$0x3FFB];
	_ =	sdelay $0x3  }
0x92: {  	_ =	strace s18  }
0x93: {  	s3 =	sld [smem:$0x3FFC];
	_ =	sdelay $0x3  }
0x94: {  	_ =	strace s3  }
0x95: {  	s3 =	sld [smem:$0x3FFD];
	_ =	sdelay $0x3  }
0x96: {  	_ =	strace s3  }
0x97: {  	_ =	strace $0x8FFFFFFF  }
0x98: {  	s19 =	sld [smem:$0x3FDB];
	_ =	sdelay $0x1  }
0x99: {  	s4 =	simm.s32 $_scs_section_size  }
0x9a: {  	s5 =	simm.s32 $_size__tile_overlayer_lowered;
	s6 =	simm.s32 $_tile_overlayer_lowered  }
0x9b: {  	s22 =	simm.s32 $0x1BFF;
	s21 =	sshll.u32 s6, $0x1;
	s3 =	sadd.s32 s4, s19  }
0x9c: {  	s7 =	simm.s32 $0x0;
	s20 =	sshll.u32 s5, $0x1;
	s5 =	sadd.s32 s21, s3  }
0x9d: {  	[timem:s7], [sflag:s22] =	dma.local [hbm:s5], s20  }
0x9e: {  	_ =	swait.ge [sflag:s22], s20  }
0x9f: {  	s4 =	ssub.s32 $0x0, s20;
	[sflag:s22] =	ssyncset.done $0x0  }
0xa0: {  	[sflag:s22] =	ssyncadd.s32 s4;
	_ =	sdelay $0x1  }
0xa1: {  	s23 =	simm.s32 $0x1B8B  }
0xa2: {  	_ =	swait.ge [sflag:s23], $0x1  }
0xa3: {  	[sflag:s23] =	ssyncset.done $0x0  }
0xa4: {  	s25 =	simm.s32 $0x1B8E;
	s24 =	sld [smem:$0x3FFE];
	[sflag:s23] =	ssyncadd.s32 $0xFFFFFFFF  }
0xa5: {  	s26 =	simm.s32 $execute0_lowered;
	[smem:$0x3FD2] =	sst s25  }
0xa6: {  	s5 =	sshll.u32 s26, $0x1;
	_ =	strace $0x80000049;
	[dreg:$0x1] =	wrdreg $0xFFFFFFFF  }
0xa7: {  	s28 =	simm.s32 $_size_execute0_lowered;
	s3 =	sadd.s32 s3, s5;
	[dreg:$0x0] =	wrdreg $0x0  }
0xa8: {  	s5 =	sshll.u32 s28, $0x1;
	[dreg:$0x2] =	wrdreg s3  }
0xa9: {  	[dreg:$0x3] =	wrdreg s5  }
0xaa: {  	[dreg:$0x4] =	wrdreg $0xC0  }
0xab: {  	_ =	task [dreg:s7], $0x5FFFF  }
0xac: {  	[dreg:$0x1] =	wrdreg $0xFFFFFFFF  }
0xad: {  	[dreg:$0x0] =	wrdreg $0x60  }
0xae: {  	[dreg:$0x2] =	wrdreg s2  }
0xaf: {  	[dreg:$0x3] =	wrdreg s24  }
0xb0: {  	[dreg:$0x4] =	wrdreg $0x90000  }
0xb1: {  	[dreg:$0x5] =	wrdreg $0x9  }
0xb2: {  	_ =	task.clear_ibuf [dreg:s7], $0x6FFFF;
	_ =	strace $0x90000049  }
0xb3: {  	s29 =	simm.s32 $0x9;
	_ =	strace $0x8000004B  }
0xb4: {  	_ =	swait.ge [sflag:s29], $0x1  }
0xb5: {  	[sflag:s29] =	ssyncadd.s32 $0xFFFFFFFF  }
0xb6: {  	_ =	strace $0x9000004B  }
0xb7: {  	_ =	sfence  }
0xb8: {  	s30 =	sld [smem:$0x0];
	_ =	sdelay $0x2  }
0xb9: {  	s31 =	sshll.u32 s1, $0xD;
	s1 =	sshrl.u32 s1, $0x2  }
0xba: {  	s3 =	sand.u32 $0x4000, s31;
	s1 =	sadd.s32 s1, s30  }
0xbb: {  	s0 =	sor.u32 s3, s0;
	s1 =	sshll.u32 s1, $0x11  }
0xbc: {  	s0 =	sor.u32 s1, s0  }
0xbd: {  	s0 =	sadd.s32 $0x8F2B, s0  }
0xbe: {  	[sflag:s0] =	ssyncadd.remote.s32 $0x1  }
0xbf: {  	_ =	sfence.sel $0xFFFF  }
0xc0: {  	[dreg:$0x0] =	wrdreg $0xFFFFFFFF;
	(pc) =	sbr.abs _section_cstart, $3  }
0xc1: {  	[dreg:$0x1] =	wrdreg $0xFFFFFFFF  }
0xc2: {  	_ =	task.clear_ibuf [dreg:s7], $0x2FFFF;
	_ =	strace $0x9FFFFFFF  }
0xc3: {  	(tm) =	ssettm $0x7FFFFFFF  }
tec
execute0_lowered:
.L_overlay_start_1:
0x0: {  	(tag) =	ssettag $0x1  }
0x1: {  	s2 =	srdreg.scid;
	s1 =	rddreg [dreg:$0x0]  }
0x2: {  	s0 =	stileid.u32;
	s6 =	rddreg [dreg:$0x1]  }
0x3: {  	s3 =	rddreg [dreg:$0x2];
	s4 =	simm.s32 $0x0;
	s15 =	simm.s32 $0x80  }
0x4: {  	s16 =	simm.s32 $0x5000;
	s17 =	simm.s32 $0x1;
	s20 =	simm.s32 $0x0  }
0x5: {  	s5 =	sand.u32 $0x1, s2;
	s26 =	sshll.u32 s0, $0x1;
	s8 =	smul.u32 $0x13C00, s0  }
0x6: {  	[smem:$0x7FF] =	sst s4;
	s11 =	smul.u32 $0x4F000, s0;
	s14 =	sadd.s32 $0x3DC00, s6  }
0x7: {  	s18 =	sadd.s32 $0x128400, s3;
	s31 =	sshll.u32 s0, $0x6;
	p0 =	seq.s32 s0, $0xF  }
0x8: {  	s2 =	sor.u32 s5, s26;
	s10 =	ssub.s32 $0x2, s5;
	s13 =	smul.u32 $0x138800, s5  }
0x9: {  	s18 =	sshrl.u32 @p0 s18, $0x3;
	s7 =	smul.u32 $0x5000, s2;
	s2 =	rddreg [dreg:$0x3]  }
0xa: {  	_ =	strace $0x8000004A;
	s9 =	sshrl.u32 s8, $0x3;
	s12 =	sshrl.u32 s10, $0x1  }
0xb: {  	s28 =	sshrl.u32 s11, $0x2;
	s11 =	simm.s32 $0x2;
	s9 =	sadd.s32 s9, s6  }
0xc: {  	s10 =	ssub.s32 s10, s12;
	s8 =	sadd.s32 s8, s13;
	s19 =	sadd.s32 s28, s3  }
0xd: {  	s29 =	sshrl.u32 s13, $0x3;
	s12 =	simm.s32 $0x2800;
	s13 =	sor.u32 $0x1C02, s31  }
0xe: {  	s7 =	sshrl.u32 s7, $0x3;
	s8 =	sshrl.u32 s8, $0x3;
	s30 =	sadd.s32 s14, s29  }
0xf: {  	s10 =	smax.u32 s10, $0x1;
	s7 =	sadd.s32 s7, s6;
	s8 =	sadd.s32 s14, s8  }
0x10: {  	s14 =	sshrl.u32 s19, $0x3;
	s19 =	sshrl.u32 @!p0 s19, $0x3;
	s5 =	sadd.s32 $0x2400, s7  }
0x11: {  	s6 =	sadd.s32 $0x2900, s7;
	s7 =	sadd.s32 $0x16400, s9;
	s9 =	sadd.s32 $0x25080, s30  }
.LBB2_1:
0x12: {  	[tilespmem:s4], [sflag:$0x2] =	stream.linear.gather [hbm4b:s5+s4], $0x2780, $0x38;
	[tilespmem:$0x1CC00] =	vst v63  }
0x13: {  	_ =	swait.ge [sflag:s11], $0x2780  }
0x14: {  	[sflag:s11] =	ssyncset.done $0x0  }
0x15: {  	[sflag:s11] =	ssyncadd.s32 $0xFFFFD880  }
0x16: {  	[tilespmem:s12], [sflag:$0x2] =	stream.linear.gather [hbm4b:s6+s4], $0x2780, $0x38;
	[tilespmem:$0x1CC00] =	vst v63  }
0x17: {  	_ =	swait.ge [sflag:s11], $0x2780  }
0x18: {  	[sflag:s11] =	ssyncset.done $0x0  }
0x19: {  	[sflag:s11] =	ssyncadd.s32 $0xFFFFD880  }
0x1a: {  	[spmem:s14], [sflag:s13] =	dma.local [hbm:s7], $0x2780  }
0x1b: {  	_ =	swait.ge [sflag:s11], $0x2780  }
0x1c: {  	[sflag:s11] =	ssyncset.done $0x0  }
0x1d: {  	[sflag:s11] =	ssyncadd.s32 $0xFFFFD880  }
0x1e: {  	s21 =	simm.s32 $0x0;
	[bflag:$0x0] =	sbarrier.arrive $0xFFFF  }
0x1f: {  	[tilespmem:s16], [sflag:$0x1] =	stream.indirect.gather [hbm4b:s1+s15], $0x80, s21, s15, $0xb8;
	[tilespmem:$0x1CC00] =	vst v63  }
0x20: {  	_ =	swait.ge [sflag:s17], $0x4000  }
0x21: {  	[sflag:s17] =	ssyncset.done $0x0  }
0x22: {  	s31 =	simm.s32 $0x2800;
	[sflag:s17] =	ssyncadd.s32 $0xFFFFC000  }
0x23: {  	[spmem:s3] =	stream.indirect.scatter.add.f32 [tilespmem:s16], [sflag:$0x2], $0x80, s31, s15, $0xb8;
	[tilespmem:$0x1CC00] =	vst v63  }
0x24: {  	_ =	swait.ge [sflag:s11], $0x4000  }
0x25: {  	s22 =	simm.s32 $0x400;
	s21 =	simm.s32 $0x200;
	[sflag:s11] =	ssyncset.done $0x0  }
.LBB2_2:
0x26: {  	s23 =	sshra.s32 s21, $0x2  }
0x27: {  	[sflag:s11] =	ssyncadd.s32 $0xFFFFC000;
	s21 =	smov.u32 s22;
	s24 =	sadd.s32 $0x200, s22  }
0x28: {  	[tilespmem:s16], [sflag:$0x1] =	stream.indirect.gather [hbm4b:s1+s15], $0x80, s23, s15, $0xb8;
	[tilespmem:$0x1CC00] =	vst v63  }
0x29: {  	p1 =	sne.s32 s22, $0x9C00;
	_ =	swait.ge [sflag:s17], $0x4000  }
.Ltmp0:
0x2a: {  	[sflag:s17] =	ssyncset.done $0x0;
	(pc) =	sbr.rel @p1 .LBB2_2-.Ltmp0, $4  }
0x2b: {  	s22 =	sadd.s32 $0x2800, s23;
	[sflag:s17] =	ssyncadd.s32 $0xFFFFC000  }
0x2c: {  	[spmem:s3] =	stream.indirect.scatter.add.f32 [tilespmem:s16], [sflag:$0x2], $0x80, s22, s15, $0xb8;
	[tilespmem:$0x1CC00] =	vst v63  }
0x2d: {  	_ =	swait.ge [sflag:s11], $0x4000  }
0x2e: {  	s22 =	smov.u32 s24;
	[sflag:s11] =	ssyncset.done $0x0  }
0x2f: {  	s21 =	sshra.s32 s21, $0x2;
	[sflag:s11] =	ssyncadd.s32 $0xFFFFC000  }
0x30: {  	[tilespmem:s16], [sflag:$0x1] =	stream.indirect.gather [hbm4b:s1+s15], $0x80, s21, s15, $0xb8;
	[tilespmem:$0x1CC00] =	vst v63  }
0x31: {  	_ =	swait.ge [sflag:s17], $0x4000  }
0x32: {  	[sflag:s17] =	ssyncset.done $0x0  }
0x33: {  	s21 =	sadd.s32 $0x2800, s21;
	[sflag:s17] =	ssyncadd.s32 $0xFFFFC000  }
0x34: {  	[spmem:s3] =	stream.indirect.scatter.add.f32 [tilespmem:s16], [sflag:$0x2], $0x80, s21, s15, $0xb8;
	[tilespmem:$0x1CC00] =	vst v63  }
0x35: {  	_ =	swait.ge [sflag:s11], $0x4000  }
0x36: {  	[sflag:s11] =	ssyncset.done $0x0  }
0x37: {  	[sflag:s11] =	ssyncadd.s32 $0xFFFFC000  }
0x38: {  	s21 =	simm.s32 @p0 $0x2;
	[bflag:$0x0] =	sbarrier.arrive $0xFFFF  }
0x39: {  	[hbm:s9], [sflag:s13] =	dma.local @p0 [spmem:s18], $0x2080  }
0x3a: {  	s20 =	sadd.s32 $0x1, s20;
	_ =	swait.ge @p0 [sflag:s21], $0x2080  }
0x3b: {  	p1 =	sne.s32 s20, s10;
	[sflag:s21] =	ssyncset.done @p0 $0x0  }
.Ltmp1:
0x3c: {  	[sflag:s21] =	ssyncadd.s32 @p0 $0xFFFFDF80;
	s21 =	simm.s32 @!p0 $0x2;
	(pc) =	sbr.rel @p1 .LBB2_1-.Ltmp1, $4  }
0x3d: {  	[hbm:s8], [sflag:s13] =	dma.local @!p0 [spmem:s19], $0x2780  }
0x3e: {  	_ =	swait.ge @!p0 [sflag:s21], $0x2780  }
0x3f: {  	[sflag:s21] =	ssyncset.done @!p0 $0x0  }
0x40: {  	[sflag:s21] =	ssyncadd.s32 @!p0 $0xFFFFD880  }
0x41: {  	_ =	sfence.sel $0x180000  }
0x42: {  	[bflag:$0x0] =	sbarrier.arrive $0xFFFF  }
0x43: {  	p0 =	sne.s32 s0, $0x0;
	_ =	strace $0x9000004A  }
0x44: {  	s0 =	sadd.s32 @!p0 $0x100000, s2;
	[bflag:$0x2] =	sbarrier.arrive $0xFFFF  }
0x45: {  	[sflag:s0] =	ssyncadd.tile.s32 @!p0 $0x1;
	_ =	shalt  }
.Lfunc_end2:
_tile_overlayer_lowered:
.L_overlay_start_2:
0x46: {  	(tag) =	ssettag $0x2  }
0x47: {  	s0 =	rddreg [dreg:$0x0];
	s2 =	stileid.u32  }
0x48: {  	s1 =	rddreg [dreg:$0x1];
	p0 =	sne.s32 s2, $0x0  }
0x49: {  	s3 =	rddreg [dreg:$0x2];
	[bflag:$0x3] =	sbarrier.arrive $0xFFFF;
	s2 =	simm.s32 @!p0 $0x1C02  }
0x4a: {  	[timem:s3], [sflag:s2] =	dma.local @!p0 [hbm:s0], s1  }
0x4b: {  	s0 =	simm.s32 @!p0 $0x2  }
0x4c: {  	_ =	swait.ge @!p0 [sflag:s0], s1  }
0x4d: {  	s1 =	ssub.s32 @!p0 $0x0, s1;
	[sflag:s0] =	ssyncset.done @!p0 $0x0  }
0x4e: {  	[sflag:s0] =	ssyncadd.s32 @!p0 s1  }
0x4f: {  	[bflag:$0x3] =	sbarrier.arrive $0xFFFF  }
0x50: {  	_ =	shalt  }

// kernel: kernel.15.cloned.1.call-start
scs
__scs_entry_jumppad:
0x0: {  	(pc) =	sbr.rel $0x88, $3  }
0x1: {  	(tag) =	ssettag $0x0;
	lr =	simm.s32 $0x1  }
0x2: {  	[smem:$0x3F99] =	sst lr;
	_ =	strace $0xD0000000  }
0x3: {  	_ = 	snop  }
0x4: {  	_ = 	snop  }
0x5: {  	_ = 	snop  }
0x6: {  	_ = 	snop  }
0x7: {  	_ = 	snop  }
__scs_overlays_trampoline_lowered:
0x8: {  	[smem:$0x3FA8] =	sst s0  }
0x9: {  	[smem:$0x3FA9] =	sst s1  }
0xa: {  	[smem:$0x3FAA] =	sst s2  }
0xb: {  	[smem:$0x3FAB] =	sst s3  }
0xc: {  	[smem:$0x3FAC] =	sst s4  }
0xd: {  	[smem:$0x3FAD] =	sst s5  }
0xe: {  	[smem:$0x3FAE] =	sst s6  }
0xf: {  	[smem:$0x3FAF] =	sst s7  }
0x10: {  	[smem:$0x3FB0] =	sst s8  }
0x11: {  	[smem:$0x3FB1] =	sst s9;
	s0 =	simm.s32 @!p0 $0x0  }
0x12: {  	s1 =	sld [smem:$0x3F97];
	s0 =	simm.s32 @p0 $0x1  }
0x13: {  	[smem:$0x3FB2] =	sst s0;
	s0 =	simm.s32 @!p1 $0x0  }
0x14: {  	s2 =	sld [smem:$0x3F96];
	s0 =	simm.s32 @p1 $0x1  }
0x15: {  	[smem:$0x3FB3] =	sst s0;
	s0 =	simm.s32 @!p2 $0x0  }
0x16: {  	s3 =	sld [smem:$0x3FDB];
	s0 =	simm.s32 @p2 $0x1  }
0x17: {  	s4 =	simm.s32 $0x1BF5;
	[smem:$0x3FB5] =	sst s0  }
0x18: {  	s0 =	sld [smem:$0x3F98];
	_ =	swait.ge [sflag:s4], $0x0  }
0x19: {  	s7 =	sld [smem:$0x3F99]  }
0x1a: {  	s8 =	sadd.s32 $0xFFFFE003, lr  }
0x1b: {  	s9 =	sadd.s32 $0xFFFFFEF7, lr;
	s5 =	simm.s32 $0xFFFFFFFF;
	p2 =	slt.u32 s8, $0xFFFFF086  }
0x1c: {  	p1 =	slt.u32 s9, $0xF7A;
	s5 =	simm.s32 @!p2 $0x0  }
0x1d: {  	s5 =	simm.s32 @p1 $0x1;
	p0 =	seq.s32 s7, s2  }
0x1e: {  	s7 =	smul.u32 @!p0 $0xF7A, s2;
	p2 =	seq.s32 @!p0 s5, $0x0  }
0x1f: {  	s9 =	smul.u32 $0xF7A, s1;
	s8 =	simm.s32 @!p0 $0x1BF5;
	p2 =	por !p2, p0  }
0x20: {  	[sflag:s8] =	ssyncset.s32 @!p0 $0xFFFFF086;
	s6 =	sadd.s32 @!p0 s3, s7;
	s7 =	simm.s32 @!p0 $0x108  }
0x21: {  	s3 =	sadd.s32 s3, s9;
	s6 =	sadd.s32 @!p0 $0x88, s6;
	s7 =	simm.s32 @p2 $0x1082  }
0x22: {  	[simem:s7], [sflag:s8] =	dma.local @!p0 [hbm:s6], $0xF7A  }
0x23: {  	s9 =	sor.u32 $0xD0000000, s2;
	s6 =	simm.s32 $0x108;
	_ =	swait.ge @!p0 [sflag:s8], $0x0  }
0x24: {  	s3 =	sadd.s32 $0x88, s3;
	s6 =	simm.s32 @!p1 $0x1082;
	[sflag:s4] =	ssyncset.s32 $0xFFFFF086  }
0x25: {  	[simem:s6], [sflag:s4] =	dma.local [hbm:s3], $0xF7A  }
0x26: {  	[smem:$0x3F99] =	sst s1;
	(tag) =	ssettag s2;
	_ =	strace s9  }
0x27: {  	s1 =	sld [smem:$0x3FA9]  }
0x28: {  	s2 =	sld [smem:$0x3FAA]  }
0x29: {  	s4 =	sld [smem:$0x3FAC]  }
0x2a: {  	p0 =	seq.s32 s5, $0x0;
	s5 =	sld [smem:$0x3FAD]  }
0x2b: {  	s6 =	sld [smem:$0x3FAE]  }
0x2c: {  	s7 =	sld [smem:$0x3FAF]  }
0x2d: {  	s3 =	simm.s32 $0x108;
	s8 =	sld [smem:$0x3FB0]  }
0x2e: {  	s3 =	simm.s32 @!p0 $0x1082;
	s9 =	sld [smem:$0x3FB1]  }
0x2f: {  	lr =	sadd.s32 s0, s3;
	s0 =	sld [smem:$0x3FA8]  }
0x30: {  	s3 =	sld [smem:$0x3FAB]  }
0x31: {  	[smem:$0x3FB4] =	sst s10  }
0x32: {  	s10 =	sld [smem:$0x3FB2];
	_ =	sdelay $0x3  }
0x33: {  	p0 =	seq.s32 s10, $0x1;
	s10 =	sld [smem:$0x3FB4];
	_ =	sdelay $0x3  }
0x34: {  	[smem:$0x3FB4] =	sst s10  }
0x35: {  	s10 =	sld [smem:$0x3FB3];
	_ =	sdelay $0x3  }
0x36: {  	p1 =	seq.s32 s10, $0x1;
	s10 =	sld [smem:$0x3FB4];
	_ =	sdelay $0x3  }
0x37: {  	[smem:$0x3FB4] =	sst s10  }
0x38: {  	s10 =	sld [smem:$0x3FB5]  }
0x39: {  	_ = 	snop;
	(pc) =	sbr.ind lr, $3  }
0x3a: {  	_ = 	snop  }
0x3b: {  	_ = 	snop  }
0x3c: {  	p2 =	seq.s32 s10, $0x1;
	s10 =	sld [smem:$0x3FB4]  }
0x3d: {  	_ =	shalt  }
0x3e: {  	_ =	shalt  }
0x3f: {  	_ =	shalt  }
0x40: {  	_ =	shalt  }
0x41: {  	_ =	shalt  }
0x42: {  	_ =	shalt  }
0x43: {  	_ =	shalt  }
0x44: {  	_ =	shalt  }
0x45: {  	_ =	shalt  }
0x46: {  	_ =	shalt  }
0x47: {  	_ =	shalt  }
0x48: {  	_ =	shalt  }
0x49: {  	_ =	shalt  }
0x4a: {  	_ =	shalt  }
0x4b: {  	_ =	shalt  }
0x4c: {  	_ =	shalt  }
0x4d: {  	_ =	shalt  }
0x4e: {  	_ =	shalt  }
0x4f: {  	_ =	shalt  }
0x50: {  	_ =	shalt  }
0x51: {  	_ =	shalt  }
0x52: {  	_ =	shalt  }
0x53: {  	_ =	shalt  }
0x54: {  	_ =	shalt  }
0x55: {  	_ =	shalt  }
0x56: {  	_ =	shalt  }
0x57: {  	_ =	shalt  }
0x58: {  	_ =	shalt  }
0x59: {  	_ =	shalt  }
0x5a: {  	_ =	shalt  }
0x5b: {  	_ =	shalt  }
0x5c: {  	_ =	shalt  }
0x5d: {  	_ =	shalt  }
0x5e: {  	_ =	shalt  }
0x5f: {  	_ =	shalt  }
0x60: {  	_ =	shalt  }
0x61: {  	_ =	shalt  }
0x62: {  	_ =	shalt  }
0x63: {  	_ =	shalt  }
0x64: {  	_ =	shalt  }
0x65: {  	_ =	shalt  }
0x66: {  	_ =	shalt  }
0x67: {  	_ =	shalt  }
0x68: {  	_ =	shalt  }
0x69: {  	_ =	shalt  }
0x6a: {  	_ =	shalt  }
0x6b: {  	_ =	shalt  }
0x6c: {  	_ =	shalt  }
0x6d: {  	_ =	shalt  }
0x6e: {  	_ =	shalt  }
0x6f: {  	_ =	shalt  }
0x70: {  	_ =	shalt  }
0x71: {  	_ =	shalt  }
0x72: {  	_ =	shalt  }
0x73: {  	_ =	shalt  }
0x74: {  	_ =	shalt  }
0x75: {  	_ =	shalt  }
0x76: {  	_ =	shalt  }
0x77: {  	_ =	shalt  }
0x78: {  	_ =	shalt  }
0x79: {  	_ =	shalt  }
0x7a: {  	_ =	shalt  }
0x7b: {  	_ =	shalt  }
0x7c: {  	_ =	shalt  }
0x7d: {  	_ =	shalt  }
0x7e: {  	_ =	shalt  }
0x7f: {  	_ =	shalt  }
0x80: {  	_ =	shalt  }
0x81: {  	_ =	shalt  }
0x82: {  	_ =	shalt  }
0x83: {  	_ =	shalt  }
0x84: {  	_ =	shalt  }
0x85: {  	_ =	shalt  }
0x86: {  	_ =	shalt  }
0x87: {  	_ =	shalt  }
.Lfunc_end0:
.L_simem_size_0:
called_computation.2_lowered:
.L_overlay_start_0:
0x88: {  	s2 =	sld [smem:$0x3FD9]  }
0x89: {  	s3 =	sld [smem:$0x3FFE];
	_ =	sdelay $0x1  }
0x8a: {  	s1 =	srdreg.scid  }
0x8b: {  	s0 =	sand.u32 $0x1, s1  }
0x8c: {  	s17 =	sshll.u32 s0, $0xA;
	s2 =	sadd.s32 s3, s2  }
0x8d: {  	s2 =	sadd.s32 s2, s17  }
0x8e: {  	[smem:$0x3FC0] =	sst s2  }
0x8f: {  	_ = 	snop  }
0x90: {  	s2 =	sld [smem:$0x3FD0];
	(tm) =	ssettm $0x1  }
0x91: {  	s18 =	sld [smem:$0x3FFB];
	_ =	sdelay $0x3  }
0x92: {  	_ =	strace s18  }
0x93: {  	s3 =	sld [smem:$0x3FFC];
	_ =	sdelay $0x3  }
0x94: {  	_ =	strace s3  }
0x95: {  	s3 =	sld [smem:$0x3FFD];
	_ =	sdelay $0x3  }
0x96: {  	_ =	strace s3  }
0x97: {  	_ =	strace $0x8FFFFFFF  }
0x98: {  	s19 =	sld [smem:$0x3FDB];
	_ =	sdelay $0x1  }
0x99: {  	s4 =	simm.s32 $_scs_section_size  }
0x9a: {  	s5 =	simm.s32 $_size__tile_overlayer_lowered;
	s6 =	simm.s32 $_tile_overlayer_lowered  }
0x9b: {  	s22 =	simm.s32 $0x1BFF;
	s21 =	sshll.u32 s6, $0x1;
	s3 =	sadd.s32 s4, s19  }
0x9c: {  	s7 =	simm.s32 $0x0;
	s20 =	sshll.u32 s5, $0x1;
	s5 =	sadd.s32 s21, s3  }
0x9d: {  	[timem:s7], [sflag:s22] =	dma.local [hbm:s5], s20  }
0x9e: {  	_ =	swait.ge [sflag:s22], s20  }
0x9f: {  	s4 =	ssub.s32 $0x0, s20;
	[sflag:s22] =	ssyncset.done $0x0  }
0xa0: {  	[sflag:s22] =	ssyncadd.s32 s4;
	_ =	sdelay $0x1  }
0xa1: {  	s23 =	simm.s32 $0x1B8B  }
0xa2: {  	_ =	swait.ge [sflag:s23], $0x1  }
0xa3: {  	[sflag:s23] =	ssyncset.done $0x0  }
0xa4: {  	s25 =	simm.s32 $0x1B8E;
	s24 =	sld [smem:$0x3FFE];
	[sflag:s23] =	ssyncadd.s32 $0xFFFFFFFF  }
0xa5: {  	s26 =	simm.s32 $execute0_lowered;
	[smem:$0x3FD2] =	sst s25  }
0xa6: {  	s5 =	sshll.u32 s26, $0x1;
	_ =	strace $0x8000004C;
	[dreg:$0x1] =	wrdreg $0xFFFFFFFF  }
0xa7: {  	s28 =	simm.s32 $_size_execute0_lowered;
	s3 =	sadd.s32 s3, s5;
	[dreg:$0x0] =	wrdreg $0x0  }
0xa8: {  	s5 =	sshll.u32 s28, $0x1;
	[dreg:$0x2] =	wrdreg s3  }
0xa9: {  	[dreg:$0x3] =	wrdreg s5  }
0xaa: {  	[dreg:$0x4] =	wrdreg $0xC0  }
0xab: {  	_ =	task [dreg:s7], $0x5FFFF  }
0xac: {  	[dreg:$0x1] =	wrdreg $0xFFFFFFFF  }
0xad: {  	[dreg:$0x0] =	wrdreg $0x60  }
0xae: {  	[dreg:$0x2] =	wrdreg s2  }
0xaf: {  	[dreg:$0x3] =	wrdreg s24  }
0xb0: {  	[dreg:$0x4] =	wrdreg $0x90000  }
0xb1: {  	[dreg:$0x5] =	wrdreg $0x9  }
0xb2: {  	_ =	task.clear_ibuf [dreg:s7], $0x6FFFF;
	_ =	strace $0x9000004C  }
0xb3: {  	s29 =	simm.s32 $0x9;
	_ =	strace $0x8000004E  }
0xb4: {  	_ =	swait.ge [sflag:s29], $0x1  }
0xb5: {  	[sflag:s29] =	ssyncadd.s32 $0xFFFFFFFF  }
0xb6: {  	_ =	strace $0x9000004E  }
0xb7: {  	_ =	sfence  }
0xb8: {  	s30 =	sld [smem:$0x0];
	_ =	sdelay $0x2  }
0xb9: {  	s31 =	sshll.u32 s1, $0xD;
	s1 =	sshrl.u32 s1, $0x2  }
0xba: {  	s3 =	sand.u32 $0x4000, s31;
	s1 =	sadd.s32 s1, s30  }
0xbb: {  	s0 =	sor.u32 s3, s0;
	s1 =	sshll.u32 s1, $0x11  }
0xbc: {  	s0 =	sor.u32 s1, s0  }
0xbd: {  	s0 =	sadd.s32 $0x8F2B, s0  }
0xbe: {  	[sflag:s0] =	ssyncadd.remote.s32 $0x1  }
0xbf: {  	_ =	sfence.sel $0xFFFF  }
0xc0: {  	[dreg:$0x0] =	wrdreg $0xFFFFFFFF;
	(pc) =	sbr.abs _section_cstart, $3  }
0xc1: {  	[dreg:$0x1] =	wrdreg $0xFFFFFFFF  }
0xc2: {  	_ =	task.clear_ibuf [dreg:s7], $0x2FFFF;
	_ =	strace $0x9FFFFFFF  }
0xc3: {  	(tm) =	ssettm $0x7FFFFFFF  }
tec
execute0_lowered:
.L_overlay_start_1:
0x0: {  	(tag) =	ssettag $0x1  }
0x1: {  	s2 =	srdreg.scid;
	s1 =	rddreg [dreg:$0x0]  }
0x2: {  	s0 =	stileid.u32;
	s6 =	rddreg [dreg:$0x1]  }
0x3: {  	s3 =	rddreg [dreg:$0x2];
	s4 =	simm.s32 $0x0;
	s15 =	simm.s32 $0x80  }
0x4: {  	s16 =	simm.s32 $0x5000;
	s17 =	simm.s32 $0x1;
	s20 =	simm.s32 $0x0  }
0x5: {  	s5 =	sand.u32 $0x1, s2;
	s26 =	sshll.u32 s0, $0x1;
	s8 =	smul.u32 $0x13C00, s0  }
0x6: {  	[smem:$0x7FF] =	sst s4;
	s11 =	smul.u32 $0x4F000, s0;
	s14 =	sadd.s32 $0x3DC00, s6  }
0x7: {  	s18 =	sadd.s32 $0x128400, s3;
	s31 =	sshll.u32 s0, $0x6;
	p0 =	seq.s32 s0, $0xF  }
0x8: {  	s2 =	sor.u32 s5, s26;
	s10 =	ssub.s32 $0x2, s5;
	s13 =	smul.u32 $0x138800, s5  }
0x9: {  	s18 =	sshrl.u32 @p0 s18, $0x3;
	s7 =	smul.u32 $0x5000, s2;
	s2 =	rddreg [dreg:$0x3]  }
0xa: {  	_ =	strace $0x8000004D;
	s9 =	sshrl.u32 s8, $0x3;
	s12 =	sshrl.u32 s10, $0x1  }
0xb: {  	s28 =	sshrl.u32 s11, $0x2;
	s11 =	simm.s32 $0x2;
	s9 =	sadd.s32 s9, s6  }
0xc: {  	s10 =	ssub.s32 s10, s12;
	s8 =	sadd.s32 s8, s13;
	s19 =	sadd.s32 s28, s3  }
0xd: {  	s29 =	sshrl.u32 s13, $0x3;
	s12 =	simm.s32 $0x2800;
	s13 =	sor.u32 $0x1C02, s31  }
0xe: {  	s7 =	sshrl.u32 s7, $0x3;
	s8 =	sshrl.u32 s8, $0x3;
	s30 =	sadd.s32 s14, s29  }
0xf: {  	s10 =	smax.u32 s10, $0x1;
	s7 =	sadd.s32 s7, s6;
	s8 =	sadd.s32 s14, s8  }
0x10: {  	s14 =	sshrl.u32 s19, $0x3;
	s19 =	sshrl.u32 @!p0 s19, $0x3;
	s5 =	sadd.s32 $0x2400, s7  }
0x11: {  	s6 =	sadd.s32 $0x2900, s7;
	s7 =	sadd.s32 $0x16400, s9;
	s9 =	sadd.s32 $0x25080, s30  }
.LBB2_1:
0x12: {  	[tilespmem:s4], [sflag:$0x2] =	stream.linear.gather [hbm4b:s5+s4], $0x2780, $0x38;
	[tilespmem:$0x1CC00] =	vst v63  }
0x13: {  	_ =	swait.ge [sflag:s11], $0x2780  }
0x14: {  	[sflag:s11] =	ssyncset.done $0x0  }
0x15: {  	[sflag:s11] =	ssyncadd.s32 $0xFFFFD880  }
0x16: {  	[tilespmem:s12], [sflag:$0x2] =	stream.linear.gather [hbm4b:s6+s4], $0x2780, $0x38;
	[tilespmem:$0x1CC00] =	vst v63  }
0x17: {  	_ =	swait.ge [sflag:s11], $0x2780  }
0x18: {  	[sflag:s11] =	ssyncset.done $0x0  }
0x19: {  	[sflag:s11] =	ssyncadd.s32 $0xFFFFD880  }
0x1a: {  	[spmem:s14], [sflag:s13] =	dma.local [hbm:s7], $0x2780  }
0x1b: {  	_ =	swait.ge [sflag:s11], $0x2780  }
0x1c: {  	[sflag:s11] =	ssyncset.done $0x0  }
0x1d: {  	[sflag:s11] =	ssyncadd.s32 $0xFFFFD880  }
0x1e: {  	s21 =	simm.s32 $0x0;
	[bflag:$0x0] =	sbarrier.arrive $0xFFFF  }
0x1f: {  	[tilespmem:s16], [sflag:$0x1] =	stream.indirect.gather [hbm4b:s1+s15], $0x80, s21, s15, $0xb8;
	[tilespmem:$0x1CC00] =	vst v63  }
0x20: {  	_ =	swait.ge [sflag:s17], $0x4000  }
0x21: {  	[sflag:s17] =	ssyncset.done $0x0  }
0x22: {  	s31 =	simm.s32 $0x2800;
	[sflag:s17] =	ssyncadd.s32 $0xFFFFC000  }
0x23: {  	[spmem:s3] =	stream.indirect.scatter.add.f32 [tilespmem:s16], [sflag:$0x2], $0x80, s31, s15, $0xb8;
	[tilespmem:$0x1CC00] =	vst v63  }
0x24: {  	_ =	swait.ge [sflag:s11], $0x4000  }
0x25: {  	s22 =	simm.s32 $0x400;
	s21 =	simm.s32 $0x200;
	[sflag:s11] =	ssyncset.done $0x0  }
.LBB2_2:
0x26: {  	s23 =	sshra.s32 s21, $0x2  }
0x27: {  	[sflag:s11] =	ssyncadd.s32 $0xFFFFC000;
	s21 =	smov.u32 s22;
	s24 =	sadd.s32 $0x200, s22  }
0x28: {  	[tilespmem:s16], [sflag:$0x1] =	stream.indirect.gather [hbm4b:s1+s15], $0x80, s23, s15, $0xb8;
	[tilespmem:$0x1CC00] =	vst v63  }
0x29: {  	p1 =	sne.s32 s22, $0x9C00;
	_ =	swait.ge [sflag:s17], $0x4000  }
.Ltmp0:
0x2a: {  	[sflag:s17] =	ssyncset.done $0x0;
	(pc) =	sbr.rel @p1 .LBB2_2-.Ltmp0, $4  }
0x2b: {  	s22 =	sadd.s32 $0x2800, s23;
	[sflag:s17] =	ssyncadd.s32 $0xFFFFC000  }
0x2c: {  	[spmem:s3] =	stream.indirect.scatter.add.f32 [tilespmem:s16], [sflag:$0x2], $0x80, s22, s15, $0xb8;
	[tilespmem:$0x1CC00] =	vst v63  }
0x2d: {  	_ =	swait.ge [sflag:s11], $0x4000  }
0x2e: {  	s22 =	smov.u32 s24;
	[sflag:s11] =	ssyncset.done $0x0  }
0x2f: {  	s21 =	sshra.s32 s21, $0x2;
	[sflag:s11] =	ssyncadd.s32 $0xFFFFC000  }
0x30: {  	[tilespmem:s16], [sflag:$0x1] =	stream.indirect.gather [hbm4b:s1+s15], $0x80, s21, s15, $0xb8;
	[tilespmem:$0x1CC00] =	vst v63  }
0x31: {  	_ =	swait.ge [sflag:s17], $0x4000  }
0x32: {  	[sflag:s17] =	ssyncset.done $0x0  }
0x33: {  	s21 =	sadd.s32 $0x2800, s21;
	[sflag:s17] =	ssyncadd.s32 $0xFFFFC000  }
0x34: {  	[spmem:s3] =	stream.indirect.scatter.add.f32 [tilespmem:s16], [sflag:$0x2], $0x80, s21, s15, $0xb8;
	[tilespmem:$0x1CC00] =	vst v63  }
0x35: {  	_ =	swait.ge [sflag:s11], $0x4000  }
0x36: {  	[sflag:s11] =	ssyncset.done $0x0  }
0x37: {  	[sflag:s11] =	ssyncadd.s32 $0xFFFFC000  }
0x38: {  	s21 =	simm.s32 @p0 $0x2;
	[bflag:$0x0] =	sbarrier.arrive $0xFFFF  }
0x39: {  	[hbm:s9], [sflag:s13] =	dma.local @p0 [spmem:s18], $0x2080  }
0x3a: {  	s20 =	sadd.s32 $0x1, s20;
	_ =	swait.ge @p0 [sflag:s21], $0x2080  }
0x3b: {  	p1 =	sne.s32 s20, s10;
	[sflag:s21] =	ssyncset.done @p0 $0x0  }
.Ltmp1:
0x3c: {  	[sflag:s21] =	ssyncadd.s32 @p0 $0xFFFFDF80;
	s21 =	simm.s32 @!p0 $0x2;
	(pc) =	sbr.rel @p1 .LBB2_1-.Ltmp1, $4  }
0x3d: {  	[hbm:s8], [sflag:s13] =	dma.local @!p0 [spmem:s19], $0x2780  }
0x3e: {  	_ =	swait.ge @!p0 [sflag:s21], $0x2780  }
0x3f: {  	[sflag:s21] =	ssyncset.done @!p0 $0x0  }
0x40: {  	[sflag:s21] =	ssyncadd.s32 @!p0 $0xFFFFD880  }
0x41: {  	_ =	sfence.sel $0x180000  }
0x42: {  	[bflag:$0x0] =	sbarrier.arrive $0xFFFF  }
0x43: {  	p0 =	sne.s32 s0, $0x0;
	_ =	strace $0x9000004D  }
0x44: {  	s0 =	sadd.s32 @!p0 $0x100000, s2;
	[bflag:$0x2] =	sbarrier.arrive $0xFFFF  }
0x45: {  	[sflag:s0] =	ssyncadd.tile.s32 @!p0 $0x1;
	_ =	shalt  }
.Lfunc_end2:
_tile_overlayer_lowered:
.L_overlay_start_2:
0x46: {  	(tag) =	ssettag $0x2  }
0x47: {  	s0 =	rddreg [dreg:$0x0];
	s2 =	stileid.u32  }
0x48: {  	s1 =	rddreg [dreg:$0x1];
	p0 =	sne.s32 s2, $0x0  }
0x49: {  	s3 =	rddreg [dreg:$0x2];
	[bflag:$0x3] =	sbarrier.arrive $0xFFFF;
	s2 =	simm.s32 @!p0 $0x1C02  }
0x4a: {  	[timem:s3], [sflag:s2] =	dma.local @!p0 [hbm:s0], s1  }
0x4b: {  	s0 =	simm.s32 @!p0 $0x2  }
0x4c: {  	_ =	swait.ge @!p0 [sflag:s0], s1  }
0x4d: {  	s1 =	ssub.s32 @!p0 $0x0, s1;
	[sflag:s0] =	ssyncset.done @!p0 $0x0  }
0x4e: {  	[sflag:s0] =	ssyncadd.s32 @!p0 s1  }
0x4f: {  	[bflag:$0x3] =	sbarrier.arrive $0xFFFF  }
0x50: {  	_ =	shalt  }

// kernel: kernel.9.cloned.1.call-start
scs
__scs_entry_jumppad:
0x0: {  	(pc) =	sbr.rel $0x88, $3  }
0x1: {  	(tag) =	ssettag $0x0;
	lr =	simm.s32 $0x1  }
0x2: {  	[smem:$0x3F99] =	sst lr;
	_ =	strace $0xD0000000  }
0x3: {  	_ = 	snop  }
0x4: {  	_ = 	snop  }
0x5: {  	_ = 	snop  }
0x6: {  	_ = 	snop  }
0x7: {  	_ = 	snop  }
__scs_overlays_trampoline_lowered:
0x8: {  	[smem:$0x3FA8] =	sst s0  }
0x9: {  	[smem:$0x3FA9] =	sst s1  }
0xa: {  	[smem:$0x3FAA] =	sst s2  }
0xb: {  	[smem:$0x3FAB] =	sst s3  }
0xc: {  	[smem:$0x3FAC] =	sst s4  }
0xd: {  	[smem:$0x3FAD] =	sst s5  }
0xe: {  	[smem:$0x3FAE] =	sst s6  }
0xf: {  	[smem:$0x3FAF] =	sst s7  }
0x10: {  	[smem:$0x3FB0] =	sst s8  }
0x11: {  	[smem:$0x3FB1] =	sst s9;
	s0 =	simm.s32 @!p0 $0x0  }
0x12: {  	s1 =	sld [smem:$0x3F97];
	s0 =	simm.s32 @p0 $0x1  }
0x13: {  	[smem:$0x3FB2] =	sst s0;
	s0 =	simm.s32 @!p1 $0x0  }
0x14: {  	s2 =	sld [smem:$0x3F96];
	s0 =	simm.s32 @p1 $0x1  }
0x15: {  	[smem:$0x3FB3] =	sst s0;
	s0 =	simm.s32 @!p2 $0x0  }
0x16: {  	s3 =	sld [smem:$0x3FDB];
	s0 =	simm.s32 @p2 $0x1  }
0x17: {  	s4 =	simm.s32 $0x1BF5;
	[smem:$0x3FB5] =	sst s0  }
0x18: {  	s0 =	sld [smem:$0x3F98];
	_ =	swait.ge [sflag:s4], $0x0  }
0x19: {  	s7 =	sld [smem:$0x3F99]  }
0x1a: {  	s8 =	sadd.s32 $0xFFFFE003, lr  }
0x1b: {  	s9 =	sadd.s32 $0xFFFFFEF7, lr;
	s5 =	simm.s32 $0xFFFFFFFF;
	p2 =	slt.u32 s8, $0xFFFFF086  }
0x1c: {  	p1 =	slt.u32 s9, $0xF7A;
	s5 =	simm.s32 @!p2 $0x0  }
0x1d: {  	s5 =	simm.s32 @p1 $0x1;
	p0 =	seq.s32 s7, s2  }
0x1e: {  	s7 =	smul.u32 @!p0 $0xF7A, s2;
	p2 =	seq.s32 @!p0 s5, $0x0  }
0x1f: {  	s9 =	smul.u32 $0xF7A, s1;
	s8 =	simm.s32 @!p0 $0x1BF5;
	p2 =	por !p2, p0  }
0x20: {  	[sflag:s8] =	ssyncset.s32 @!p0 $0xFFFFF086;
	s6 =	sadd.s32 @!p0 s3, s7;
	s7 =	simm.s32 @!p0 $0x108  }
0x21: {  	s3 =	sadd.s32 s3, s9;
	s6 =	sadd.s32 @!p0 $0x88, s6;
	s7 =	simm.s32 @p2 $0x1082  }
0x22: {  	[simem:s7], [sflag:s8] =	dma.local @!p0 [hbm:s6], $0xF7A  }
0x23: {  	s9 =	sor.u32 $0xD0000000, s2;
	s6 =	simm.s32 $0x108;
	_ =	swait.ge @!p0 [sflag:s8], $0x0  }
0x24: {  	s3 =	sadd.s32 $0x88, s3;
	s6 =	simm.s32 @!p1 $0x1082;
	[sflag:s4] =	ssyncset.s32 $0xFFFFF086  }
0x25: {  	[simem:s6], [sflag:s4] =	dma.local [hbm:s3], $0xF7A  }
0x26: {  	[smem:$0x3F99] =	sst s1;
	(tag) =	ssettag s2;
	_ =	strace s9  }
0x27: {  	s1 =	sld [smem:$0x3FA9]  }
0x28: {  	s2 =	sld [smem:$0x3FAA]  }
0x29: {  	s4 =	sld [smem:$0x3FAC]  }
0x2a: {  	p0 =	seq.s32 s5, $0x0;
	s5 =	sld [smem:$0x3FAD]  }
0x2b: {  	s6 =	sld [smem:$0x3FAE]  }
0x2c: {  	s7 =	sld [smem:$0x3FAF]  }
0x2d: {  	s3 =	simm.s32 $0x108;
	s8 =	sld [smem:$0x3FB0]  }
0x2e: {  	s3 =	simm.s32 @!p0 $0x1082;
	s9 =	sld [smem:$0x3FB1]  }
0x2f: {  	lr =	sadd.s32 s0, s3;
	s0 =	sld [smem:$0x3FA8]  }
0x30: {  	s3 =	sld [smem:$0x3FAB]  }
0x31: {  	[smem:$0x3FB4] =	sst s10  }
0x32: {  	s10 =	sld [smem:$0x3FB2];
	_ =	sdelay $0x3  }
0x33: {  	p0 =	seq.s32 s10, $0x1;
	s10 =	sld [smem:$0x3FB4];
	_ =	sdelay $0x3  }
0x34: {  	[smem:$0x3FB4] =	sst s10  }
0x35: {  	s10 =	sld [smem:$0x3FB3];
	_ =	sdelay $0x3  }
0x36: {  	p1 =	seq.s32 s10, $0x1;
	s10 =	sld [smem:$0x3FB4];
	_ =	sdelay $0x3  }
0x37: {  	[smem:$0x3FB4] =	sst s10  }
0x38: {  	s10 =	sld [smem:$0x3FB5]  }
0x39: {  	_ = 	snop;
	(pc) =	sbr.ind lr, $3  }
0x3a: {  	_ = 	snop  }
0x3b: {  	_ = 	snop  }
0x3c: {  	p2 =	seq.s32 s10, $0x1;
	s10 =	sld [smem:$0x3FB4]  }
0x3d: {  	_ =	shalt  }
0x3e: {  	_ =	shalt  }
0x3f: {  	_ =	shalt  }
0x40: {  	_ =	shalt  }
0x41: {  	_ =	shalt  }
0x42: {  	_ =	shalt  }
0x43: {  	_ =	shalt  }
0x44: {  	_ =	shalt  }
0x45: {  	_ =	shalt  }
0x46: {  	_ =	shalt  }
0x47: {  	_ =	shalt  }
0x48: {  	_ =	shalt  }
0x49: {  	_ =	shalt  }
0x4a: {  	_ =	shalt  }
0x4b: {  	_ =	shalt  }
0x4c: {  	_ =	shalt  }
0x4d: {  	_ =	shalt  }
0x4e: {  	_ =	shalt  }
0x4f: {  	_ =	shalt  }
0x50: {  	_ =	shalt  }
0x51: {  	_ =	shalt  }
0x52: {  	_ =	shalt  }
0x53: {  	_ =	shalt  }
0x54: {  	_ =	shalt  }
0x55: {  	_ =	shalt  }
0x56: {  	_ =	shalt  }
0x57: {  	_ =	shalt  }
0x58: {  	_ =	shalt  }
0x59: {  	_ =	shalt  }
0x5a: {  	_ =	shalt  }
0x5b: {  	_ =	shalt  }
0x5c: {  	_ =	shalt  }
0x5d: {  	_ =	shalt  }
0x5e: {  	_ =	shalt  }
0x5f: {  	_ =	shalt  }
0x60: {  	_ =	shalt  }
0x61: {  	_ =	shalt  }
0x62: {  	_ =	shalt  }
0x63: {  	_ =	shalt  }
0x64: {  	_ =	shalt  }
0x65: {  	_ =	shalt  }
0x66: {  	_ =	shalt  }
0x67: {  	_ =	shalt  }
0x68: {  	_ =	shalt  }
0x69: {  	_ =	shalt  }
0x6a: {  	_ =	shalt  }
0x6b: {  	_ =	shalt  }
0x6c: {  	_ =	shalt  }
0x6d: {  	_ =	shalt  }
0x6e: {  	_ =	shalt  }
0x6f: {  	_ =	shalt  }
0x70: {  	_ =	shalt  }
0x71: {  	_ =	shalt  }
0x72: {  	_ =	shalt  }
0x73: {  	_ =	shalt  }
0x74: {  	_ =	shalt  }
0x75: {  	_ =	shalt  }
0x76: {  	_ =	shalt  }
0x77: {  	_ =	shalt  }
0x78: {  	_ =	shalt  }
0x79: {  	_ =	shalt  }
0x7a: {  	_ =	shalt  }
0x7b: {  	_ =	shalt  }
0x7c: {  	_ =	shalt  }
0x7d: {  	_ =	shalt  }
0x7e: {  	_ =	shalt  }
0x7f: {  	_ =	shalt  }
0x80: {  	_ =	shalt  }
0x81: {  	_ =	shalt  }
0x82: {  	_ =	shalt  }
0x83: {  	_ =	shalt  }
0x84: {  	_ =	shalt  }
0x85: {  	_ =	shalt  }
0x86: {  	_ =	shalt  }
0x87: {  	_ =	shalt  }
.Lfunc_end0:
.L_simem_size_0:
called_computation_lowered:
.L_overlay_start_0:
0x88: {  	s2 =	sld [smem:$0x3FD9]  }
0x89: {  	s3 =	sld [smem:$0x3FFE];
	_ =	sdelay $0x1  }
0x8a: {  	s1 =	srdreg.scid  }
0x8b: {  	s0 =	sand.u32 $0x1, s1  }
0x8c: {  	s17 =	sshll.u32 s0, $0xA;
	s2 =	sadd.s32 s3, s2  }
0x8d: {  	s2 =	sadd.s32 s2, s17  }
0x8e: {  	[smem:$0x3FC0] =	sst s2  }
0x8f: {  	_ = 	snop  }
0x90: {  	s2 =	sld [smem:$0x3FD0];
	(tm) =	ssettm $0x1  }
0x91: {  	s18 =	sld [smem:$0x3FFB];
	_ =	sdelay $0x3  }
0x92: {  	_ =	strace s18  }
0x93: {  	s3 =	sld [smem:$0x3FFC];
	_ =	sdelay $0x3  }
0x94: {  	_ =	strace s3  }
0x95: {  	s3 =	sld [smem:$0x3FFD];
	_ =	sdelay $0x3  }
0x96: {  	_ =	strace s3  }
0x97: {  	_ =	strace $0x8FFFFFFF  }
0x98: {  	s19 =	sld [smem:$0x3FDB];
	_ =	sdelay $0x1  }
0x99: {  	s4 =	simm.s32 $_scs_section_size  }
0x9a: {  	s5 =	simm.s32 $_size__tile_overlayer_lowered;
	s6 =	simm.s32 $_tile_overlayer_lowered  }
0x9b: {  	s22 =	simm.s32 $0x1BFF;
	s21 =	sshll.u32 s6, $0x1;
	s3 =	sadd.s32 s4, s19  }
0x9c: {  	s7 =	simm.s32 $0x0;
	s20 =	sshll.u32 s5, $0x1;
	s5 =	sadd.s32 s21, s3  }
0x9d: {  	[timem:s7], [sflag:s22] =	dma.local [hbm:s5], s20  }
0x9e: {  	_ =	swait.ge [sflag:s22], s20  }
0x9f: {  	s4 =	ssub.s32 $0x0, s20;
	[sflag:s22] =	ssyncset.done $0x0  }
0xa0: {  	[sflag:s22] =	ssyncadd.s32 s4;
	_ =	sdelay $0x1  }
0xa1: {  	s23 =	simm.s32 $0x1B8B  }
0xa2: {  	_ =	swait.ge [sflag:s23], $0x1  }
0xa3: {  	[sflag:s23] =	ssyncset.done $0x0  }
0xa4: {  	s25 =	simm.s32 $0x1B8E;
	s24 =	sld [smem:$0x3FFE];
	[sflag:s23] =	ssyncadd.s32 $0xFFFFFFFF  }
0xa5: {  	s26 =	simm.s32 $execute0_lowered;
	[smem:$0x3FD2] =	sst s25  }
0xa6: {  	s5 =	sshll.u32 s26, $0x1;
	_ =	strace $0x80000046;
	[dreg:$0x1] =	wrdreg $0xFFFFFFFF  }
0xa7: {  	s28 =	simm.s32 $_size_execute0_lowered;
	s3 =	sadd.s32 s3, s5;
	[dreg:$0x0] =	wrdreg $0x0  }
0xa8: {  	s5 =	sshll.u32 s28, $0x1;
	[dreg:$0x2] =	wrdreg s3  }
0xa9: {  	[dreg:$0x3] =	wrdreg s5  }
0xaa: {  	[dreg:$0x4] =	wrdreg $0xC0  }
0xab: {  	_ =	task [dreg:s7], $0x5FFFF  }
0xac: {  	[dreg:$0x1] =	wrdreg $0xFFFFFFFF  }
0xad: {  	[dreg:$0x0] =	wrdreg $0x60  }
0xae: {  	[dreg:$0x2] =	wrdreg s2  }
0xaf: {  	[dreg:$0x3] =	wrdreg s24  }
0xb0: {  	[dreg:$0x4] =	wrdreg $0x90000  }
0xb1: {  	[dreg:$0x5] =	wrdreg $0x9  }
0xb2: {  	_ =	task.clear_ibuf [dreg:s7], $0x6FFFF;
	_ =	strace $0x90000046  }
0xb3: {  	s29 =	simm.s32 $0x9;
	_ =	strace $0x80000048  }
0xb4: {  	_ =	swait.ge [sflag:s29], $0x1  }
0xb5: {  	[sflag:s29] =	ssyncadd.s32 $0xFFFFFFFF  }
0xb6: {  	_ =	strace $0x90000048  }
0xb7: {  	_ =	sfence  }
0xb8: {  	s30 =	sld [smem:$0x0];
	_ =	sdelay $0x2  }
0xb9: {  	s31 =	sshll.u32 s1, $0xD;
	s1 =	sshrl.u32 s1, $0x2  }
0xba: {  	s3 =	sand.u32 $0x4000, s31;
	s1 =	sadd.s32 s1, s30  }
0xbb: {  	s0 =	sor.u32 s3, s0;
	s1 =	sshll.u32 s1, $0x11  }
0xbc: {  	s0 =	sor.u32 s1, s0  }
0xbd: {  	s0 =	sadd.s32 $0x8F2B, s0  }
0xbe: {  	[sflag:s0] =	ssyncadd.remote.s32 $0x1  }
0xbf: {  	_ =	sfence.sel $0xFFFF  }
0xc0: {  	[dreg:$0x0] =	wrdreg $0xFFFFFFFF;
	(pc) =	sbr.abs _section_cstart, $3  }
0xc1: {  	[dreg:$0x1] =	wrdreg $0xFFFFFFFF  }
0xc2: {  	_ =	task.clear_ibuf [dreg:s7], $0x2FFFF;
	_ =	strace $0x9FFFFFFF  }
0xc3: {  	(tm) =	ssettm $0x7FFFFFFF  }
tec
execute0_lowered:
.L_overlay_start_1:
0x0: {  	(tag) =	ssettag $0x1  }
0x1: {  	s2 =	srdreg.scid;
	s1 =	rddreg [dreg:$0x0]  }
0x2: {  	s0 =	stileid.u32;
	s6 =	rddreg [dreg:$0x1]  }
0x3: {  	s3 =	rddreg [dreg:$0x2];
	s4 =	simm.s32 $0x0;
	s15 =	simm.s32 $0x80  }
0x4: {  	s16 =	simm.s32 $0x5000;
	s17 =	simm.s32 $0x1;
	s20 =	simm.s32 $0x0  }
0x5: {  	s5 =	sand.u32 $0x1, s2;
	s26 =	sshll.u32 s0, $0x1;
	s8 =	smul.u32 $0x13C00, s0  }
0x6: {  	[smem:$0x7FF] =	sst s4;
	s11 =	smul.u32 $0x4F000, s0;
	s14 =	sadd.s32 $0x3DC00, s6  }
0x7: {  	s18 =	sadd.s32 $0x128400, s3;
	s31 =	sshll.u32 s0, $0x6;
	p0 =	seq.s32 s0, $0xF  }
0x8: {  	s2 =	sor.u32 s5, s26;
	s10 =	ssub.s32 $0x2, s5;
	s13 =	smul.u32 $0x138800, s5  }
0x9: {  	s18 =	sshrl.u32 @p0 s18, $0x3;
	s7 =	smul.u32 $0x5000, s2;
	s2 =	rddreg [dreg:$0x3]  }
0xa: {  	_ =	strace $0x80000047;
	s9 =	sshrl.u32 s8, $0x3;
	s12 =	sshrl.u32 s10, $0x1  }
0xb: {  	s28 =	sshrl.u32 s11, $0x2;
	s11 =	simm.s32 $0x2;
	s9 =	sadd.s32 s9, s6  }
0xc: {  	s10 =	ssub.s32 s10, s12;
	s8 =	sadd.s32 s8, s13;
	s19 =	sadd.s32 s28, s3  }
0xd: {  	s29 =	sshrl.u32 s13, $0x3;
	s12 =	simm.s32 $0x2800;
	s13 =	sor.u32 $0x1C02, s31  }
0xe: {  	s7 =	sshrl.u32 s7, $0x3;
	s8 =	sshrl.u32 s8, $0x3;
	s30 =	sadd.s32 s14, s29  }
0xf: {  	s10 =	smax.u32 s10, $0x1;
	s7 =	sadd.s32 s7, s6;
	s8 =	sadd.s32 s14, s8  }
0x10: {  	s14 =	sshrl.u32 s19, $0x3;
	s19 =	sshrl.u32 @!p0 s19, $0x3;
	s5 =	sadd.s32 $0x2400, s7  }
0x11: {  	s6 =	sadd.s32 $0x2900, s7;
	s7 =	sadd.s32 $0x16400, s9;
	s9 =	sadd.s32 $0x25080, s30  }
.LBB2_1:
0x12: {  	[tilespmem:s4], [sflag:$0x2] =	stream.linear.gather [hbm4b:s5+s4], $0x2780, $0x38;
	[tilespmem:$0x1CC00] =	vst v63  }
0x13: {  	_ =	swait.ge [sflag:s11], $0x2780  }
0x14: {  	[sflag:s11] =	ssyncset.done $0x0  }
0x15: {  	[sflag:s11] =	ssyncadd.s32 $0xFFFFD880  }
0x16: {  	[tilespmem:s12], [sflag:$0x2] =	stream.linear.gather [hbm4b:s6+s4], $0x2780, $0x38;
	[tilespmem:$0x1CC00] =	vst v63  }
0x17: {  	_ =	swait.ge [sflag:s11], $0x2780  }
0x18: {  	[sflag:s11] =	ssyncset.done $0x0  }
0x19: {  	[sflag:s11] =	ssyncadd.s32 $0xFFFFD880  }
0x1a: {  	[spmem:s14], [sflag:s13] =	dma.local [hbm:s7], $0x2780  }
0x1b: {  	_ =	swait.ge [sflag:s11], $0x2780  }
0x1c: {  	[sflag:s11] =	ssyncset.done $0x0  }
0x1d: {  	[sflag:s11] =	ssyncadd.s32 $0xFFFFD880  }
0x1e: {  	s21 =	simm.s32 $0x0;
	[bflag:$0x0] =	sbarrier.arrive $0xFFFF  }
0x1f: {  	[tilespmem:s16], [sflag:$0x1] =	stream.indirect.gather [hbm4b:s1+s15], $0x80, s21, s15, $0xb8;
	[tilespmem:$0x1CC00] =	vst v63  }
0x20: {  	_ =	swait.ge [sflag:s17], $0x4000  }
0x21: {  	[sflag:s17] =	ssyncset.done $0x0  }
0x22: {  	s31 =	simm.s32 $0x2800;
	[sflag:s17] =	ssyncadd.s32 $0xFFFFC000  }
0x23: {  	[spmem:s3] =	stream.indirect.scatter.add.f32 [tilespmem:s16], [sflag:$0x2], $0x80, s31, s15, $0xb8;
	[tilespmem:$0x1CC00] =	vst v63  }
0x24: {  	_ =	swait.ge [sflag:s11], $0x4000  }
0x25: {  	s22 =	simm.s32 $0x400;
	s21 =	simm.s32 $0x200;
	[sflag:s11] =	ssyncset.done $0x0  }
.LBB2_2:
0x26: {  	s23 =	sshra.s32 s21, $0x2  }
0x27: {  	[sflag:s11] =	ssyncadd.s32 $0xFFFFC000;
	s21 =	smov.u32 s22;
	s24 =	sadd.s32 $0x200, s22  }
0x28: {  	[tilespmem:s16], [sflag:$0x1] =	stream.indirect.gather [hbm4b:s1+s15], $0x80, s23, s15, $0xb8;
	[tilespmem:$0x1CC00] =	vst v63  }
0x29: {  	p1 =	sne.s32 s22, $0x9C00;
	_ =	swait.ge [sflag:s17], $0x4000  }
.Ltmp0:
0x2a: {  	[sflag:s17] =	ssyncset.done $0x0;
	(pc) =	sbr.rel @p1 .LBB2_2-.Ltmp0, $4  }
0x2b: {  	s22 =	sadd.s32 $0x2800, s23;
	[sflag:s17] =	ssyncadd.s32 $0xFFFFC000  }
0x2c: {  	[spmem:s3] =	stream.indirect.scatter.add.f32 [tilespmem:s16], [sflag:$0x2], $0x80, s22, s15, $0xb8;
	[tilespmem:$0x1CC00] =	vst v63  }
0x2d: {  	_ =	swait.ge [sflag:s11], $0x4000  }
0x2e: {  	s22 =	smov.u32 s24;
	[sflag:s11] =	ssyncset.done $0x0  }
0x2f: {  	s21 =	sshra.s32 s21, $0x2;
	[sflag:s11] =	ssyncadd.s32 $0xFFFFC000  }
0x30: {  	[tilespmem:s16], [sflag:$0x1] =	stream.indirect.gather [hbm4b:s1+s15], $0x80, s21, s15, $0xb8;
	[tilespmem:$0x1CC00] =	vst v63  }
0x31: {  	_ =	swait.ge [sflag:s17], $0x4000  }
0x32: {  	[sflag:s17] =	ssyncset.done $0x0  }
0x33: {  	s21 =	sadd.s32 $0x2800, s21;
	[sflag:s17] =	ssyncadd.s32 $0xFFFFC000  }
0x34: {  	[spmem:s3] =	stream.indirect.scatter.add.f32 [tilespmem:s16], [sflag:$0x2], $0x80, s21, s15, $0xb8;
	[tilespmem:$0x1CC00] =	vst v63  }
0x35: {  	_ =	swait.ge [sflag:s11], $0x4000  }
0x36: {  	[sflag:s11] =	ssyncset.done $0x0  }
0x37: {  	[sflag:s11] =	ssyncadd.s32 $0xFFFFC000  }
0x38: {  	s21 =	simm.s32 @p0 $0x2;
	[bflag:$0x0] =	sbarrier.arrive $0xFFFF  }
0x39: {  	[hbm:s9], [sflag:s13] =	dma.local @p0 [spmem:s18], $0x2080  }
0x3a: {  	s20 =	sadd.s32 $0x1, s20;
	_ =	swait.ge @p0 [sflag:s21], $0x2080  }
0x3b: {  	p1 =	sne.s32 s20, s10;
	[sflag:s21] =	ssyncset.done @p0 $0x0  }
.Ltmp1:
0x3c: {  	[sflag:s21] =	ssyncadd.s32 @p0 $0xFFFFDF80;
	s21 =	simm.s32 @!p0 $0x2;
	(pc) =	sbr.rel @p1 .LBB2_1-.Ltmp1, $4  }
0x3d: {  	[hbm:s8], [sflag:s13] =	dma.local @!p0 [spmem:s19], $0x2780  }
0x3e: {  	_ =	swait.ge @!p0 [sflag:s21], $0x2780  }
0x3f: {  	[sflag:s21] =	ssyncset.done @!p0 $0x0  }
0x40: {  	[sflag:s21] =	ssyncadd.s32 @!p0 $0xFFFFD880  }
0x41: {  	_ =	sfence.sel $0x180000  }
0x42: {  	[bflag:$0x0] =	sbarrier.arrive $0xFFFF  }
0x43: {  	p0 =	sne.s32 s0, $0x0;
	_ =	strace $0x90000047  }
0x44: {  	s0 =	sadd.s32 @!p0 $0x100000, s2;
	[bflag:$0x2] =	sbarrier.arrive $0xFFFF  }
0x45: {  	[sflag:s0] =	ssyncadd.tile.s32 @!p0 $0x1;
	_ =	shalt  }
.Lfunc_end2:
_tile_overlayer_lowered:
.L_overlay_start_2:
0x46: {  	(tag) =	ssettag $0x2  }
0x47: {  	s0 =	rddreg [dreg:$0x0];
	s2 =	stileid.u32  }
0x48: {  	s1 =	rddreg [dreg:$0x1];
	p0 =	sne.s32 s2, $0x0  }
0x49: {  	s3 =	rddreg [dreg:$0x2];
	[bflag:$0x3] =	sbarrier.arrive $0xFFFF;
	s2 =	simm.s32 @!p0 $0x1C02  }
0x4a: {  	[timem:s3], [sflag:s2] =	dma.local @!p0 [hbm:s0], s1  }
0x4b: {  	s0 =	simm.s32 @!p0 $0x2  }
0x4c: {  	_ =	swait.ge @!p0 [sflag:s0], s1  }
0x4d: {  	s1 =	ssub.s32 @!p0 $0x0, s1;
	[sflag:s0] =	ssyncset.done @!p0 $0x0  }
0x4e: {  	[sflag:s0] =	ssyncadd.s32 @!p0 s1  }
0x4f: {  	[bflag:$0x3] =	sbarrier.arrive $0xFFFF  }
0x50: {  	_ =	shalt  }

</sc_bundles>
